<compile_context>
chip_gen: v7x
topology: tpu7x:2x2x1
jax: 0.10.2.dev20260603
libtpu: 0.0.44.dev20260713+nightly
codegen_flags: <defaults>
</compile_context>

<pallas_src>
import functools

import jax
import jax.numpy as jnp
from jax import lax
from jax.experimental import pallas as pl
from jax.experimental.pallas import tpu as pltpu
from jax.experimental.pallas import tpu_sc as plsc

MAX_ARGS_K = 4
BS_K = 1024
N_TACTICS_K = 4096
N_CAND_K = 1048576
TOTAL_ARGS_K = 1024

NUM_WORKERS = 32
CHUNK = N_CAND_K // NUM_WORKERS
LANES = 16
VECS = CHUNK // LANES
LABELS_PER_W = TOTAL_ARGS_K // NUM_WORKERS
INT_MAX = jnp.iinfo(jnp.int32).max
NEG_INF = float("-inf")

_GATHER_DN = lax.GatherDimensionNumbers(
    offset_dims=(), collapsed_slice_dims=(0,), start_index_map=(0,))


def _shuf(x, perm):
    return lax.gather(x, perm[:, None], _GATHER_DN, (1,),
                      mode=lax.GatherScatterMode.PROMISE_IN_BOUNDS)


def _sc_segment_kernel(vals_hbm, idx_hbm, labels_hbm,
                       pmax_hbm, psum_hbm, ppos_hbm, pickv_hbm, picks_hbm,
                       vals_v, idx_v, accmax_v, accsum_v, accpos_v,
                       lab_v, labv_v, labs_v, dma_sem):
    wid = lax.axis_index("s") * 2 + lax.axis_index("c")
    base = wid * CHUNK

    pltpu.sync_copy(vals_hbm.at[pl.ds(base, CHUNK)], vals_v)
    pltpu.sync_copy(idx_hbm.at[pl.ds(base, CHUNK)], idx_v)

    iota = lax.iota(jnp.int32, LANES)
    perm_up = [jnp.minimum(iota + s, LANES - 1) for s in (1, 2, 4, 8)]
    perm_next = jnp.minimum(iota + 1, LANES - 1)
    perm_prev = jnp.maximum(iota - 1, 0)

    def init_body(i, _):
        accmax_v[pl.ds(i * LANES, LANES)] = jnp.full((LANES,), NEG_INF, jnp.float32)
        accsum_v[pl.ds(i * LANES, LANES)] = jnp.zeros((LANES,), jnp.float32)
        accpos_v[pl.ds(i * LANES, LANES)] = jnp.full((LANES,), INT_MAX, jnp.int32)
        return ()
    lax.fori_loop(0, TOTAL_ARGS_K // LANES, init_body, ())

    def body(i, _):
        v = vals_v[pl.ds(i * LANES, LANES)]
        ix = idx_v[pl.ds(i * LANES, LANES)]

        plsc.addupdate_scatter(accsum_v, [ix], jnp.exp(v))

        pos = iota + (base + i * LANES)
        nix1 = _shuf(ix, perm_next)
        flag = jnp.where(
            jnp.logical_or(iota == LANES - 1, nix1 != ix),
            jnp.int32(1), jnp.int32(0))
        vrun = v
        prun = pos
        for perm in perm_up:
            nv = _shuf(vrun, perm)
            np_ = _shuf(prun, perm)
            nf = _shuf(flag, perm)
            upd = flag == 0
            take = jnp.logical_and(upd, nv > vrun)
            vrun = jnp.where(take, nv, vrun)
            prun = jnp.where(take, np_, prun)
            flag = jnp.where(upd, nf, flag)

        pix = _shuf(ix, perm_prev)
        lead = jnp.logical_or(iota == 0, pix != ix)
        gmax = plsc.load_gather(accmax_v, [ix])
        gpos = plsc.load_gather(accpos_v, [ix])
        better = jnp.logical_or(
            vrun > gmax, jnp.logical_and(vrun == gmax, prun < gpos))
        nmax = jnp.where(better, vrun, gmax)
        npos = jnp.where(better, prun, gpos)
        plsc.store_scatter(accmax_v, [ix], nmax, mask=lead)
        plsc.store_scatter(accpos_v, [ix], npos, mask=lead)
        return ()

    lax.fori_loop(0, VECS, body, ())

    pltpu.sync_copy(accmax_v, pmax_hbm.at[wid])
    pltpu.sync_copy(accsum_v, psum_hbm.at[wid])
    pltpu.sync_copy(accpos_v, ppos_hbm.at[wid])

    lbase = wid * LABELS_PER_W
    pltpu.sync_copy(labels_hbm.at[pl.ds(lbase, LABELS_PER_W)], lab_v)
    pltpu.async_copy(vals_hbm.at[lab_v], labv_v, dma_sem).wait()
    pltpu.async_copy(idx_hbm.at[lab_v], labs_v, dma_sem).wait()
    pltpu.sync_copy(labv_v, pickv_hbm.at[pl.ds(lbase, LABELS_PER_W)])
    pltpu.sync_copy(labs_v, picks_hbm.at[pl.ds(lbase, LABELS_PER_W)])


def _sc_segment_call(vals, idx, labels):
    mesh = plsc.VectorSubcoreMesh(core_axis_name="c", subcore_axis_name="s")
    out_type = [
        jax.ShapeDtypeStruct((NUM_WORKERS, TOTAL_ARGS_K), jnp.float32),
        jax.ShapeDtypeStruct((NUM_WORKERS, TOTAL_ARGS_K), jnp.float32),
        jax.ShapeDtypeStruct((NUM_WORKERS, TOTAL_ARGS_K), jnp.int32),
        jax.ShapeDtypeStruct((TOTAL_ARGS_K,), jnp.float32),
        jax.ShapeDtypeStruct((TOTAL_ARGS_K,), jnp.int32),
    ]
    scratch = [
        pltpu.VMEM((CHUNK,), jnp.float32),
        pltpu.VMEM((CHUNK,), jnp.int32),
        pltpu.VMEM((TOTAL_ARGS_K,), jnp.float32),
        pltpu.VMEM((TOTAL_ARGS_K,), jnp.float32),
        pltpu.VMEM((TOTAL_ARGS_K,), jnp.int32),
        pltpu.VMEM((LABELS_PER_W,), jnp.int32),
        pltpu.VMEM((LABELS_PER_W,), jnp.float32),
        pltpu.VMEM((LABELS_PER_W,), jnp.int32),
        pltpu.SemaphoreType.DMA,
    ]
    run = pl.kernel(_sc_segment_kernel, mesh=mesh, out_type=out_type,
                    scratch_types=scratch,
                    compiler_params=pltpu.CompilerParams(
                        needs_layout_passes=False))
    return run(vals, idx, labels)


def _tactic_kernel(logits_ref, labels_ref, pred_ref, loss_ref):
    x = logits_ref[...]
    blk = x.shape[0]
    m = jnp.max(x, axis=1)
    col = lax.broadcasted_iota(jnp.int32, x.shape, 1)
    pred_ref[...] = jnp.min(
        jnp.where(x == m[:, None], col, jnp.int32(N_TACTICS_K)), axis=1)
    lse = m + jnp.log(jnp.sum(jnp.exp(x - m[:, None]), axis=1))
    picked = jnp.sum(
        jnp.where(col == labels_ref[...][:, None], x, jnp.float32(0.0)), axis=1)
    loss_ref[...] = lse - picked


def _tactic_call(tactic_logits, tactic_labels):
    blk = 128
    grid = BS_K // blk
    return pl.pallas_call(
        _tactic_kernel,
        grid=(grid,),
        in_specs=[
            pl.BlockSpec((blk, N_TACTICS_K), lambda i: (i, 0)),
            pl.BlockSpec((blk,), lambda i: (i,)),
        ],
        out_specs=[
            pl.BlockSpec((blk,), lambda i: (i,)),
            pl.BlockSpec((blk,), lambda i: (i,)),
        ],
        out_shape=[
            jax.ShapeDtypeStruct((BS_K,), jnp.int32),
            jax.ShapeDtypeStruct((BS_K,), jnp.float32),
        ],
    )(tactic_logits, tactic_labels)


def _merge_kernel(pmax_ref, psum_ref, ppos_ref, pickv_ref, picks_ref,
                  argpred_ref, argloss_ref, argids_ref):
    pmax = pmax_ref[...]
    psum = psum_ref[...]
    ppos = ppos_ref[...]
    seg_max = jnp.max(pmax, axis=0)
    seg_sum = jnp.sum(psum, axis=0)
    cand = jnp.where(pmax == seg_max[None, :], ppos, INT_MAX)
    argpred_ref[...] = jnp.min(cand, axis=0)
    logz = jnp.log(seg_sum)

    seg = picks_ref[...]
    col = lax.broadcasted_iota(jnp.int32, (TOTAL_ARGS_K, TOTAL_ARGS_K), 1)
    lz = jnp.sum(
        jnp.where(col == seg[:, None], logz[None, :], jnp.float32(0.0)), axis=1)
    argloss_ref[...] = lz - pickv_ref[...]
    argids_ref[...] = lax.iota(jnp.int32, TOTAL_ARGS_K)


def _merge_call(pmax, psum, ppos, pickv, picks):
    return pl.pallas_call(
        _merge_kernel,
        out_shape=[
            jax.ShapeDtypeStruct((TOTAL_ARGS_K,), jnp.int32),
            jax.ShapeDtypeStruct((TOTAL_ARGS_K,), jnp.float32),
            jax.ShapeDtypeStruct((TOTAL_ARGS_K,), jnp.int32),
        ],
    )(pmax, psum, ppos, pickv, picks)


@jax.jit
def kernel(tactic_logits, tactic_labels, arg_cnt, arg_logits_values,
           arg_logits_indices, arg_labels):
    tactic_pred, tactic_loss = _tactic_call(tactic_logits, tactic_labels)
    pmax, psum, ppos, pickv, picks = _sc_segment_call(
        arg_logits_values, arg_logits_indices, arg_labels)
    arg_pred, arg_loss, arg_ids = _merge_call(pmax, psum, ppos, pickv, picks)
    return (tactic_pred, arg_ids, arg_pred, tactic_loss, arg_loss)

# --- scband reference (transcript-rebuilt; emitter-appended) ---
"""Pipeline reference for scband-training-predictions-and-losses-87110526697693 (READ-ONLY COPY).

The authoritative reference and input builder live on the scoring server;
editing this copy changes nothing except your own understanding.
"""

import jax, jax.numpy as jnp
import numpy as np

MAX_ARGS = 4
BS = 1024
N_TACTICS = 4096
N_CAND = 1048576
TOTAL_ARGS = 1024


def setup_inputs(seed: int = 0) -> dict:
    key = jax.random.key(seed)
    k1, k2, k3, k4, k5 = jax.random.split(key, 5)
    tactic_logits = jax.random.normal(k1, (BS, N_TACTICS), dtype=jnp.float32)
    tactic_labels = jax.random.randint(k2, (BS,), 0, N_TACTICS, dtype=jnp.int32)
    arg_cnt = jnp.ones((BS,), dtype=jnp.int32)
    arg_logits_values = jax.random.normal(k3, (N_CAND,), dtype=jnp.float32)
    arg_logits_indices = jnp.sort(jax.random.randint(k4, (N_CAND,), 0, TOTAL_ARGS, dtype=jnp.int32))
    arg_labels = jax.random.randint(k5, (TOTAL_ARGS,), 0, N_CAND, dtype=jnp.int32)
    return {
        'tactic_logits': tactic_logits,
        'tactic_labels': tactic_labels,
        'arg_cnt': arg_cnt,
        'arg_logits_values': arg_logits_values,
        'arg_logits_indices': arg_logits_indices,
        'arg_labels': arg_labels,
    }


def reference(tactic_logits, tactic_labels, arg_cnt, arg_logits_values, arg_logits_indices, arg_labels):
    bs = tactic_logits.shape[0]
    n_cand = arg_logits_values.shape[0]

    # tactic prediction and sparse softmax cross entropy
    tactic_pred = jnp.argmax(tactic_logits, axis=1).astype(jnp.int32)
    logz = jax.scipy.special.logsumexp(tactic_logits, axis=1)
    picked = jnp.take_along_axis(tactic_logits, tactic_labels[:, None].astype(jnp.int32), axis=1)[:, 0]
    tactic_loss = logz - picked

    # ragged arg ids from arg_cnt via sequence mask (fixed-shape compaction)
    mask_args = jnp.arange(MAX_ARGS)[None, :] < arg_cnt[:, None]
    arg_ids_full = jnp.tile(jnp.arange(bs, dtype=jnp.int32)[:, None], (1, MAX_ARGS))
    total_args = arg_labels.shape[0]
    flat_mask = mask_args.reshape(-1)
    flat_ids = arg_ids_full.reshape(-1)
    rank = jnp.cumsum(flat_mask.astype(jnp.int32)) - 1
    scatter_idx = jnp.where(flat_mask, rank, jnp.int32(total_args))
    arg_ids = jnp.zeros((total_args,), dtype=jnp.int32).at[scatter_idx].set(flat_ids, mode='drop')

    # segment argmax over candidate logits -> global candidate index of per-segment max
    seg_max = jax.ops.segment_max(arg_logits_values, arg_logits_indices, num_segments=total_args)
    is_max = arg_logits_values == seg_max[arg_logits_indices]
    pos = jnp.where(is_max, jnp.arange(n_cand, dtype=jnp.int32), jnp.int32(n_cand))
    arg_pred = jax.ops.segment_min(pos, arg_logits_indices, num_segments=total_args)

    # segment log-softmax
    shifted = arg_logits_values - seg_max[arg_logits_indices]
    seg_sum = jax.ops.segment_sum(jnp.exp(shifted), arg_logits_indices, num_segments=total_args)
    logprobs = shifted - jnp.log(seg_sum)[arg_logits_indices]

    # gather label logprobs and reduce per batch element (unsorted_segment_sum)
    loss_args = -logprobs[arg_labels]
    arg_loss = jax.ops.segment_sum(loss_args, arg_ids, num_segments=bs)

    return (tactic_pred, arg_ids, arg_pred, tactic_loss, arg_loss)

if __name__ == "__main__":
    import jax
    _d = setup_inputs()
    print(jax.jit(kernel)(*tuple(_d.values())))

</pallas_src>

<mosaic_0001>
#map = affine_map<(d0, d1) -> (0)>
#map1 = affine_map<(d0, d1) -> (0, 0)>
module attributes {stable_mosaic.version = 14 : i64} {
  func.func @_sc_segment_kernel(%arg0: i32, %arg1: i32, %arg2: memref<1048576xf32, #tpu.memory_space<hbm>>, %arg3: memref<1048576xi32, #tpu.memory_space<hbm>>, %arg4: memref<1024xi32, #tpu.memory_space<hbm>>, %arg5: memref<32x1024xf32, #tpu.memory_space<hbm>>, %arg6: memref<32x1024xf32, #tpu.memory_space<hbm>>, %arg7: memref<32x1024xi32, #tpu.memory_space<hbm>>, %arg8: memref<1024xf32, #tpu.memory_space<hbm>>, %arg9: memref<1024xi32, #tpu.memory_space<hbm>>, %arg10: memref<32768xf32, #tpu.memory_space<vmem>>, %arg11: memref<32768xi32, #tpu.memory_space<vmem>>, %arg12: memref<1024xf32, #tpu.memory_space<vmem>>, %arg13: memref<1024xf32, #tpu.memory_space<vmem>>, %arg14: memref<1024xi32, #tpu.memory_space<vmem>>, %arg15: memref<32xi32, #tpu.memory_space<vmem>>, %arg16: memref<32xf32, #tpu.memory_space<vmem>>, %arg17: memref<32xi32, #tpu.memory_space<vmem>>, %arg18: memref<!tpu.dma_semaphore, #tpu.memory_space<semaphore_mem>>) attributes {dimension_semantics = [#tpu.dimension_semantics<core_parallel>, #tpu.dimension_semantics<subcore_parallel>], iteration_bounds = array<i64: 2, 16>, scalar_prefetch = 0 : i64, scratch_operands = 9 : i64, tpu.core_type = #tpu.core_type<sc_vector_subcore>, window_params = [{transform_indices = #map}, {transform_indices = #map}, {transform_indices = #map}, {transform_indices = #map1}, {transform_indices = #map1}, {transform_indices = #map1}, {transform_indices = #map}, {transform_indices = #map}]} {
    %mul3A = arith.constant 2 : i32
    %mul3A_0 = arith.muli %arg1, %mul3A : i32
    %add3A = arith.addi %mul3A_0, %arg0 : i32
    %mul3A_1 = arith.constant 32768 : i32
    %mul3A_2 = arith.muli %add3A, %mul3A_1 : i32
    "tpu.region"() ({
      %run_scoped3A = tpu.sem_alloc : memref<!tpu.dma_semaphore, #tpu.memory_space<semaphore_mem>>
      %dma_start3A_53 = tpu.memref_slice %arg2[%mul3A_2] : memref<1048576xf32, #tpu.memory_space<hbm>> -> memref<32768xf32, #tpu.memory_space<hbm>>
      %dma_start3A_54 = tpu.memref_slice %arg2[%mul3A_2] : memref<1048576xf32, #tpu.memory_space<hbm>> -> memref<32768xf32, #tpu.memory_space<hbm>>
      tpu.enqueue_dma source(%dma_start3A_54 : memref<32768xf32, #tpu.memory_space<hbm>>) target(%arg10 : memref<32768xf32, #tpu.memory_space<vmem>>) target_semaphore(%run_scoped3A : memref<!tpu.dma_semaphore, #tpu.memory_space<semaphore_mem>>)
      %dma_wait3A_55 = tpu.memref_slice %arg2[%mul3A_2] : memref<1048576xf32, #tpu.memory_space<hbm>> -> memref<32768xf32, #tpu.memory_space<hbm>>
      %dma_wait3A_56 = tpu.memref_slice %arg2[%mul3A_2] : memref<1048576xf32, #tpu.memory_space<hbm>> -> memref<32768xf32, #tpu.memory_space<hbm>>
      tpu.wait_dma2 semaphore(%run_scoped3A : memref<!tpu.dma_semaphore, #tpu.memory_space<semaphore_mem>>) src(%dma_wait3A_56 : memref<32768xf32, #tpu.memory_space<hbm>>) dst(%arg10 : memref<32768xf32, #tpu.memory_space<vmem>>)
      tpu.yield
    }) : () -> ()
    "tpu.region"() ({
      %run_scoped3A = tpu.sem_alloc : memref<!tpu.dma_semaphore, #tpu.memory_space<semaphore_mem>>
      %dma_start3A_53 = tpu.memref_slice %arg3[%mul3A_2] : memref<1048576xi32, #tpu.memory_space<hbm>> -> memref<32768xi32, #tpu.memory_space<hbm>>
      %dma_start3A_54 = tpu.memref_slice %arg3[%mul3A_2] : memref<1048576xi32, #tpu.memory_space<hbm>> -> memref<32768xi32, #tpu.memory_space<hbm>>
      tpu.enqueue_dma source(%dma_start3A_54 : memref<32768xi32, #tpu.memory_space<hbm>>) target(%arg11 : memref<32768xi32, #tpu.memory_space<vmem>>) target_semaphore(%run_scoped3A : memref<!tpu.dma_semaphore, #tpu.memory_space<semaphore_mem>>)
      %dma_wait3A_55 = tpu.memref_slice %arg3[%mul3A_2] : memref<1048576xi32, #tpu.memory_space<hbm>> -> memref<32768xi32, #tpu.memory_space<hbm>>
      %dma_wait3A_56 = tpu.memref_slice %arg3[%mul3A_2] : memref<1048576xi32, #tpu.memory_space<hbm>> -> memref<32768xi32, #tpu.memory_space<hbm>>
      tpu.wait_dma2 semaphore(%run_scoped3A : memref<!tpu.dma_semaphore, #tpu.memory_space<semaphore_mem>>) src(%dma_wait3A_56 : memref<32768xi32, #tpu.memory_space<hbm>>) dst(%arg11 : memref<32768xi32, #tpu.memory_space<vmem>>)
      tpu.yield
    }) : () -> ()
    %iota3A = tpu.iota {dimensions = array<i32: 0>} : vector<16xi32>
    %add3A_3 = arith.constant 1 : i32
    %add3A_4 = vector.broadcast %add3A_3 : i32 to vector<16xi32>
    %add3A_5 = arith.addi %iota3A, %add3A_4 : vector<16xi32>
    %min3A = arith.constant 15 : i32
    %min3A_6 = vector.broadcast %min3A : i32 to vector<16xi32>
    %min3A_7 = arith.minsi %add3A_5, %min3A_6 : vector<16xi32>
    %add3A_8 = arith.constant 2 : i32
    %add3A_9 = vector.broadcast %add3A_8 : i32 to vector<16xi32>
    %add3A_10 = arith.addi %iota3A, %add3A_9 : vector<16xi32>
    %min3A_11 = arith.constant 15 : i32
    %min3A_12 = vector.broadcast %min3A_11 : i32 to vector<16xi32>
    %min3A_13 = arith.minsi %add3A_10, %min3A_12 : vector<16xi32>
    %add3A_14 = arith.constant 4 : i32
    %add3A_15 = vector.broadcast %add3A_14 : i32 to vector<16xi32>
    %add3A_16 = arith.addi %iota3A, %add3A_15 : vector<16xi32>
    %min3A_17 = arith.constant 15 : i32
    %min3A_18 = vector.broadcast %min3A_17 : i32 to vector<16xi32>
    %min3A_19 = arith.minsi %add3A_16, %min3A_18 : vector<16xi32>
    %add3A_20 = arith.constant 8 : i32
    %add3A_21 = vector.broadcast %add3A_20 : i32 to vector<16xi32>
    %add3A_22 = arith.addi %iota3A, %add3A_21 : vector<16xi32>
    %min3A_23 = arith.constant 15 : i32
    %min3A_24 = vector.broadcast %min3A_23 : i32 to vector<16xi32>
    %min3A_25 = arith.minsi %add3A_22, %min3A_24 : vector<16xi32>
    %add3A_26 = arith.constant 1 : i32
    %add3A_27 = vector.broadcast %add3A_26 : i32 to vector<16xi32>
    %add3A_28 = arith.addi %iota3A, %add3A_27 : vector<16xi32>
    %min3A_29 = arith.constant 15 : i32
    %min3A_30 = vector.broadcast %min3A_29 : i32 to vector<16xi32>
    %min3A_31 = arith.minsi %add3A_28, %min3A_30 : vector<16xi32>
    %sub3A = arith.constant 1 : i32
    %sub3A_32 = vector.broadcast %sub3A : i32 to vector<16xi32>
    %sub3A_33 = arith.subi %iota3A, %sub3A_32 : vector<16xi32>
    %max3A = arith.constant 0 : i32
    %max3A_34 = vector.broadcast %max3A : i32 to vector<16xi32>
    %max3A_35 = arith.maxsi %sub3A_33, %max3A_34 : vector<16xi32>
    %scan3A = arith.constant 0 : i32
    %scan3A_36 = arith.constant 64 : i32
    %scan3A_37 = arith.addi %scan3A, %scan3A_36 : i32
    %scan3A_38 = arith.constant 1 : i32
    scf.for %scan3A_53 = %scan3A to %scan3A_37 step %scan3A_38  : i32 {
      %broadcast_in_dim3A = arith.constant 0xFF800000 : f32
      %broadcast_in_dim3A_54 = vector.broadcast %broadcast_in_dim3A : f32 to vector<16xf32>
      %mul3A_55 = arith.constant 16 : i32
      %mul3A_56 = arith.muli %scan3A_53, %mul3A_55 : i32
      %swap3A = arith.index_cast %mul3A_56 : i32 to index
      %swap3A_57 = tpu.vector_load %arg12[%swap3A] {strides = array<i32>} : memref<1024xf32, #tpu.memory_space<vmem>>, vector<16xf32>,
      tpu.vector_store %arg12[%swap3A], %broadcast_in_dim3A_54 {strides = array<i32>} : memref<1024xf32, #tpu.memory_space<vmem>>, vector<16xf32>,
      %broadcast_in_dim3A_58 = arith.constant 0.000000e+00 : f32
      %broadcast_in_dim3A_59 = vector.broadcast %broadcast_in_dim3A_58 : f32 to vector<16xf32>
      %mul3A_60 = arith.constant 16 : i32
      %mul3A_61 = arith.muli %scan3A_53, %mul3A_60 : i32
      %swap3A_62 = arith.index_cast %mul3A_61 : i32 to index
      %swap3A_63 = tpu.vector_load %arg13[%swap3A_62] {strides = array<i32>} : memref<1024xf32, #tpu.memory_space<vmem>>, vector<16xf32>,
      tpu.vector_store %arg13[%swap3A_62], %broadcast_in_dim3A_59 {strides = array<i32>} : memref<1024xf32, #tpu.memory_space<vmem>>, vector<16xf32>,
      %broadcast_in_dim3A_64 = arith.constant 2147483647 : i32
      %broadcast_in_dim3A_65 = vector.broadcast %broadcast_in_dim3A_64 : i32 to vector<16xi32>
      %mul3A_66 = arith.constant 16 : i32
      %mul3A_67 = arith.muli %scan3A_53, %mul3A_66 : i32
      %swap3A_68 = arith.index_cast %mul3A_67 : i32 to index
      %swap3A_69 = tpu.vector_load %arg14[%swap3A_68] {strides = array<i32>} : memref<1024xi32, #tpu.memory_space<vmem>>, vector<16xi32>,
      tpu.vector_store %arg14[%swap3A_68], %broadcast_in_dim3A_65 {strides = array<i32>} : memref<1024xi32, #tpu.memory_space<vmem>>, vector<16xi32>,
    }
    %scan3A_39 = arith.constant 64 : i32
    %scan3A_40 = arith.constant 0 : i32
    %scan3A_41 = arith.constant 2048 : i32
    %scan3A_42 = arith.addi %scan3A_40, %scan3A_41 : i32
    %scan3A_43 = arith.constant 1 : i32
    scf.for %scan3A_53 = %scan3A_40 to %scan3A_42 step %scan3A_43  : i32 {
      %mul3A_54 = arith.constant 16 : i32
      %mul3A_55 = arith.muli %scan3A_53, %mul3A_54 : i32
      %get3A = arith.index_cast %mul3A_55 : i32 to index
      %get3A_56 = tpu.vector_load %arg10[%get3A] {strides = array<i32>} : memref<32768xf32, #tpu.memory_space<vmem>>, vector<16xf32>,
      %mul3A_57 = arith.constant 16 : i32
      %mul3A_58 = arith.muli %scan3A_53, %mul3A_57 : i32
      %get3A_59 = arith.index_cast %mul3A_58 : i32 to index
      %get3A_60 = tpu.vector_load %arg11[%get3A_59] {strides = array<i32>} : memref<32768xi32, #tpu.memory_space<vmem>>, vector<16xi32>,
      %exp3A = math.exp %get3A_56 : vector<16xf32>
      tpu.vector_store_idx %arg13[%get3A_60], %exp3A {add = true} : memref<1024xf32, #tpu.memory_space<vmem>>[vector<16xi32>], vector<16xf32>,
      %mul3A_61 = arith.constant 16 : i32
      %mul3A_62 = arith.muli %scan3A_53, %mul3A_61 : i32
      %add3A_63 = arith.addi %mul3A_2, %mul3A_62 : i32
      %add3A_64 = vector.broadcast %add3A_63 : i32 to vector<16xi32>
      %add3A_65 = arith.addi %iota3A, %add3A_64 : vector<16xi32>
      %broadcast_in_dim3A = vector.shape_cast %min3A_31 : vector<16xi32> to vector<16x1xi32>
      %gather3A = vector.shape_cast %broadcast_in_dim3A : vector<16x1xi32> to vector<16xi32>
      %gather3A_66 = tpu.dynamic_gather %get3A_60[%gather3A] in [0] : vector<16xi32>, vector<16xi32> -> vector<16xi32>
      %eq3A = arith.constant 15 : i32
      %eq3A_67 = vector.broadcast %eq3A : i32 to vector<16xi32>
      %eq3A_68 = arith.cmpi eq, %iota3A, %eq3A_67 : vector<16xi32>
      %ne3A = arith.cmpi ne, %gather3A_66, %get3A_60 : vector<16xi32>
      %or3A = arith.ori %eq3A_68, %ne3A : vector<16xi1>
      %jit3A = arith.constant 1 : i32
      %jit3A_69 = arith.constant 0 : i32
      %broadcast_in_dim3A_70 = vector.broadcast %jit3A : i32 to vector<16xi32>
      %broadcast_in_dim3A_71 = vector.broadcast %jit3A_69 : i32 to vector<16xi32>
      %select_n3A = arith.select %or3A, %broadcast_in_dim3A_70, %broadcast_in_dim3A_71 : vector<16xi1>, vector<16xi32>
      %broadcast_in_dim3A_72 = vector.shape_cast %min3A_7 : vector<16xi32> to vector<16x1xi32>
      %gather3A_73 = vector.shape_cast %broadcast_in_dim3A_72 : vector<16x1xi32> to vector<16xi32>
      %gather3A_74 = tpu.dynamic_gather %get3A_56[%gather3A_73] in [0] : vector<16xf32>, vector<16xi32> -> vector<16xf32>
      %broadcast_in_dim3A_75 = vector.shape_cast %min3A_7 : vector<16xi32> to vector<16x1xi32>
      %gather3A_76 = vector.shape_cast %broadcast_in_dim3A_75 : vector<16x1xi32> to vector<16xi32>
      %gather3A_77 = tpu.dynamic_gather %add3A_65[%gather3A_76] in [0] : vector<16xi32>, vector<16xi32> -> vector<16xi32>
      %broadcast_in_dim3A_78 = vector.shape_cast %min3A_7 : vector<16xi32> to vector<16x1xi32>
      %gather3A_79 = vector.shape_cast %broadcast_in_dim3A_78 : vector<16x1xi32> to vector<16xi32>
      %gather3A_80 = tpu.dynamic_gather %select_n3A[%gather3A_79] in [0] : vector<16xi32>, vector<16xi32> -> vector<16xi32>
      %eq3A_81 = arith.constant 0 : i32
      %eq3A_82 = vector.broadcast %eq3A_81 : i32 to vector<16xi32>
      %eq3A_83 = arith.cmpi eq, %select_n3A, %eq3A_82 : vector<16xi32>
      %gt3A = arith.cmpf ogt, %gather3A_74, %get3A_56 : vector<16xf32>
      %and3A = arith.andi %eq3A_83, %gt3A : vector<16xi1>
      %select_n3A_84 = arith.select %and3A, %gather3A_74, %get3A_56 : vector<16xi1>, vector<16xf32>
      %select_n3A_85 = arith.select %and3A, %gather3A_77, %add3A_65 : vector<16xi1>, vector<16xi32>
      %select_n3A_86 = arith.select %eq3A_83, %gather3A_80, %select_n3A : vector<16xi1>, vector<16xi32>
      %broadcast_in_dim3A_87 = vector.shape_cast %min3A_13 : vector<16xi32> to vector<16x1xi32>
      %gather3A_88 = vector.shape_cast %broadcast_in_dim3A_87 : vector<16x1xi32> to vector<16xi32>
      %gather3A_89 = tpu.dynamic_gather %select_n3A_84[%gather3A_88] in [0] : vector<16xf32>, vector<16xi32> -> vector<16xf32>
      %broadcast_in_dim3A_90 = vector.shape_cast %min3A_13 : vector<16xi32> to vector<16x1xi32>
      %gather3A_91 = vector.shape_cast %broadcast_in_dim3A_90 : vector<16x1xi32> to vector<16xi32>
      %gather3A_92 = tpu.dynamic_gather %select_n3A_85[%gather3A_91] in [0] : vector<16xi32>, vector<16xi32> -> vector<16xi32>
      %broadcast_in_dim3A_93 = vector.shape_cast %min3A_13 : vector<16xi32> to vector<16x1xi32>
      %gather3A_94 = vector.shape_cast %broadcast_in_dim3A_93 : vector<16x1xi32> to vector<16xi32>
      %gather3A_95 = tpu.dynamic_gather %select_n3A_86[%gather3A_94] in [0] : vector<16xi32>, vector<16xi32> -> vector<16xi32>
      %eq3A_96 = arith.constant 0 : i32
      %eq3A_97 = vector.broadcast %eq3A_96 : i32 to vector<16xi32>
      %eq3A_98 = arith.cmpi eq, %select_n3A_86, %eq3A_97 : vector<16xi32>
      %gt3A_99 = arith.cmpf ogt, %gather3A_89, %select_n3A_84 : vector<16xf32>
      %and3A_100 = arith.andi %eq3A_98, %gt3A_99 : vector<16xi1>
      %select_n3A_101 = arith.select %and3A_100, %gather3A_89, %select_n3A_84 : vector<16xi1>, vector<16xf32>
      %select_n3A_102 = arith.select %and3A_100, %gather3A_92, %select_n3A_85 : vector<16xi1>, vector<16xi32>
      %select_n3A_103 = arith.select %eq3A_98, %gather3A_95, %select_n3A_86 : vector<16xi1>, vector<16xi32>
      %broadcast_in_dim3A_104 = vector.shape_cast %min3A_19 : vector<16xi32> to vector<16x1xi32>
      %gather3A_105 = vector.shape_cast %broadcast_in_dim3A_104 : vector<16x1xi32> to vector<16xi32>
      %gather3A_106 = tpu.dynamic_gather %select_n3A_101[%gather3A_105] in [0] : vector<16xf32>, vector<16xi32> -> vector<16xf32>
      %broadcast_in_dim3A_107 = vector.shape_cast %min3A_19 : vector<16xi32> to vector<16x1xi32>
      %gather3A_108 = vector.shape_cast %broadcast_in_dim3A_107 : vector<16x1xi32> to vector<16xi32>
      %gather3A_109 = tpu.dynamic_gather %select_n3A_102[%gather3A_108] in [0] : vector<16xi32>, vector<16xi32> -> vector<16xi32>
      %broadcast_in_dim3A_110 = vector.shape_cast %min3A_19 : vector<16xi32> to vector<16x1xi32>
      %gather3A_111 = vector.shape_cast %broadcast_in_dim3A_110 : vector<16x1xi32> to vector<16xi32>
      %gather3A_112 = tpu.dynamic_gather %select_n3A_103[%gather3A_111] in [0] : vector<16xi32>, vector<16xi32> -> vector<16xi32>
      %eq3A_113 = arith.constant 0 : i32
      %eq3A_114 = vector.broadcast %eq3A_113 : i32 to vector<16xi32>
      %eq3A_115 = arith.cmpi eq, %select_n3A_103, %eq3A_114 : vector<16xi32>
      %gt3A_116 = arith.cmpf ogt, %gather3A_106, %select_n3A_101 : vector<16xf32>
      %and3A_117 = arith.andi %eq3A_115, %gt3A_116 : vector<16xi1>
      %select_n3A_118 = arith.select %and3A_117, %gather3A_106, %select_n3A_101 : vector<16xi1>, vector<16xf32>
      %select_n3A_119 = arith.select %and3A_117, %gather3A_109, %select_n3A_102 : vector<16xi1>, vector<16xi32>
      %select_n3A_120 = arith.select %eq3A_115, %gather3A_112, %select_n3A_103 : vector<16xi1>, vector<16xi32>
      %broadcast_in_dim3A_121 = vector.shape_cast %min3A_25 : vector<16xi32> to vector<16x1xi32>
      %gather3A_122 = vector.shape_cast %broadcast_in_dim3A_121 : vector<16x1xi32> to vector<16xi32>
      %gather3A_123 = tpu.dynamic_gather %select_n3A_118[%gather3A_122] in [0] : vector<16xf32>, vector<16xi32> -> vector<16xf32>
      %broadcast_in_dim3A_124 = vector.shape_cast %min3A_25 : vector<16xi32> to vector<16x1xi32>
      %gather3A_125 = vector.shape_cast %broadcast_in_dim3A_124 : vector<16x1xi32> to vector<16xi32>
      %gather3A_126 = tpu.dynamic_gather %select_n3A_119[%gather3A_125] in [0] : vector<16xi32>, vector<16xi32> -> vector<16xi32>
      %broadcast_in_dim3A_127 = vector.shape_cast %min3A_25 : vector<16xi32> to vector<16x1xi32>
      %gather3A_128 = vector.shape_cast %broadcast_in_dim3A_127 : vector<16x1xi32> to vector<16xi32>
      %gather3A_129 = tpu.dynamic_gather %select_n3A_120[%gather3A_128] in [0] : vector<16xi32>, vector<16xi32> -> vector<16xi32>
      %eq3A_130 = arith.constant 0 : i32
      %eq3A_131 = vector.broadcast %eq3A_130 : i32 to vector<16xi32>
      %eq3A_132 = arith.cmpi eq, %select_n3A_120, %eq3A_131 : vector<16xi32>
      %gt3A_133 = arith.cmpf ogt, %gather3A_123, %select_n3A_118 : vector<16xf32>
      %and3A_134 = arith.andi %eq3A_132, %gt3A_133 : vector<16xi1>
      %select_n3A_135 = arith.select %and3A_134, %gather3A_123, %select_n3A_118 : vector<16xi1>, vector<16xf32>
      %select_n3A_136 = arith.select %and3A_134, %gather3A_126, %select_n3A_119 : vector<16xi1>, vector<16xi32>
      %select_n3A_137 = arith.select %eq3A_132, %gather3A_129, %select_n3A_120 : vector<16xi1>, vector<16xi32>
      %broadcast_in_dim3A_138 = vector.shape_cast %max3A_35 : vector<16xi32> to vector<16x1xi32>
      %gather3A_139 = vector.shape_cast %broadcast_in_dim3A_138 : vector<16x1xi32> to vector<16xi32>
      %gather3A_140 = tpu.dynamic_gather %get3A_60[%gather3A_139] in [0] : vector<16xi32>, vector<16xi32> -> vector<16xi32>
      %eq3A_141 = arith.constant 0 : i32
      %eq3A_142 = vector.broadcast %eq3A_141 : i32 to vector<16xi32>
      %eq3A_143 = arith.cmpi eq, %iota3A, %eq3A_142 : vector<16xi32>
      %ne3A_144 = arith.cmpi ne, %gather3A_140, %get3A_60 : vector<16xi32>
      %or3A_145 = arith.ori %eq3A_143, %ne3A_144 : vector<16xi1>
      %gather3A_146 = tpu.vector_load_idx %arg12[%get3A_60] : memref<1024xf32, #tpu.memory_space<vmem>>[vector<16xi32>], vector<16xf32>,
      %gather3A_147 = tpu.vector_load_idx %arg14[%get3A_60] : memref<1024xi32, #tpu.memory_space<vmem>>[vector<16xi32>], vector<16xi32>,
      %gt3A_148 = arith.cmpf ogt, %select_n3A_135, %gather3A_146 : vector<16xf32>
      %eq3A_149 = arith.cmpf oeq, %select_n3A_135, %gather3A_146 : vector<16xf32>
      %lt3A = arith.cmpi slt, %select_n3A_136, %gather3A_147 : vector<16xi32>
      %and3A_150 = arith.andi %eq3A_149, %lt3A : vector<16xi1>
      %or3A_151 = arith.ori %gt3A_148, %and3A_150 : vector<16xi1>
      %select_n3A_152 = arith.select %or3A_151, %select_n3A_135, %gather3A_146 : vector<16xi1>, vector<16xf32>
      %select_n3A_153 = arith.select %or3A_151, %select_n3A_136, %gather3A_147 : vector<16xi1>, vector<16xi32>
      tpu.vector_store_idx %arg12[%get3A_60], %select_n3A_152 masked %or3A_145 : memref<1024xf32, #tpu.memory_space<vmem>>[vector<16xi32>], vector<16xf32>, vector<16xi1>
      tpu.vector_store_idx %arg14[%get3A_60], %select_n3A_153 masked %or3A_145 : memref<1024xi32, #tpu.memory_space<vmem>>[vector<16xi32>], vector<16xi32>, vector<16xi1>
    }
    %scan3A_44 = arith.constant 2048 : i32
    "tpu.region"() ({
      %run_scoped3A = tpu.sem_alloc : memref<!tpu.dma_semaphore, #tpu.memory_space<semaphore_mem>>
      %dma_start3A_53 = arith.constant 0 : i32
      %dma_start3A_54 = tpu.memref_slice %arg5[%add3A, %dma_start3A_53] : memref<32x1024xf32, #tpu.memory_space<hbm>> -> memref<1x1024xf32, #tpu.memory_space<hbm>>
      %dma_start3A_55 = tpu.memref_squeeze %dma_start3A_54 : memref<1x1024xf32, #tpu.memory_space<hbm>> -> memref<1024xf32, #tpu.memory_space<hbm>>
      %dma_start3A_56 = arith.constant 0 : i32
      %dma_start3A_57 = tpu.memref_slice %arg5[%add3A, %dma_start3A_56] : memref<32x1024xf32, #tpu.memory_space<hbm>> -> memref<1x1024xf32, #tpu.memory_space<hbm>>
      %dma_start3A_58 = tpu.memref_squeeze %dma_start3A_57 : memref<1x1024xf32, #tpu.memory_space<hbm>> -> memref<1024xf32, #tpu.memory_space<hbm>>
      tpu.enqueue_dma source(%arg12 : memref<1024xf32, #tpu.memory_space<vmem>>) target(%dma_start3A_58 : memref<1024xf32, #tpu.memory_space<hbm>>) target_semaphore(%run_scoped3A : memref<!tpu.dma_semaphore, #tpu.memory_space<semaphore_mem>>)
      %dma_wait3A_59 = arith.constant 0 : i32
      %dma_wait3A_60 = tpu.memref_slice %arg5[%add3A, %dma_wait3A_59] : memref<32x1024xf32, #tpu.memory_space<hbm>> -> memref<1x1024xf32, #tpu.memory_space<hbm>>
      %dma_wait3A_61 = tpu.memref_squeeze %dma_wait3A_60 : memref<1x1024xf32, #tpu.memory_space<hbm>> -> memref<1024xf32, #tpu.memory_space<hbm>>
      %dma_wait3A_62 = arith.constant 0 : i32
      %dma_wait3A_63 = tpu.memref_slice %arg5[%add3A, %dma_wait3A_62] : memref<32x1024xf32, #tpu.memory_space<hbm>> -> memref<1x1024xf32, #tpu.memory_space<hbm>>
      %dma_wait3A_64 = tpu.memref_squeeze %dma_wait3A_63 : memref<1x1024xf32, #tpu.memory_space<hbm>> -> memref<1024xf32, #tpu.memory_space<hbm>>
      tpu.wait_dma2 semaphore(%run_scoped3A : memref<!tpu.dma_semaphore, #tpu.memory_space<semaphore_mem>>) src(%arg12 : memref<1024xf32, #tpu.memory_space<vmem>>) dst(%dma_wait3A_64 : memref<1024xf32, #tpu.memory_space<hbm>>)
      tpu.yield
    }) : () -> ()
    "tpu.region"() ({
      %run_scoped3A = tpu.sem_alloc : memref<!tpu.dma_semaphore, #tpu.memory_space<semaphore_mem>>
      %dma_start3A_53 = arith.constant 0 : i32
      %dma_start3A_54 = tpu.memref_slice %arg6[%add3A, %dma_start3A_53] : memref<32x1024xf32, #tpu.memory_space<hbm>> -> memref<1x1024xf32, #tpu.memory_space<hbm>>
      %dma_start3A_55 = tpu.memref_squeeze %dma_start3A_54 : memref<1x1024xf32, #tpu.memory_space<hbm>> -> memref<1024xf32, #tpu.memory_space<hbm>>
      %dma_start3A_56 = arith.constant 0 : i32
      %dma_start3A_57 = tpu.memref_slice %arg6[%add3A, %dma_start3A_56] : memref<32x1024xf32, #tpu.memory_space<hbm>> -> memref<1x1024xf32, #tpu.memory_space<hbm>>
      %dma_start3A_58 = tpu.memref_squeeze %dma_start3A_57 : memref<1x1024xf32, #tpu.memory_space<hbm>> -> memref<1024xf32, #tpu.memory_space<hbm>>
      tpu.enqueue_dma source(%arg13 : memref<1024xf32, #tpu.memory_space<vmem>>) target(%dma_start3A_58 : memref<1024xf32, #tpu.memory_space<hbm>>) target_semaphore(%run_scoped3A : memref<!tpu.dma_semaphore, #tpu.memory_space<semaphore_mem>>)
      %dma_wait3A_59 = arith.constant 0 : i32
      %dma_wait3A_60 = tpu.memref_slice %arg6[%add3A, %dma_wait3A_59] : memref<32x1024xf32, #tpu.memory_space<hbm>> -> memref<1x1024xf32, #tpu.memory_space<hbm>>
      %dma_wait3A_61 = tpu.memref_squeeze %dma_wait3A_60 : memref<1x1024xf32, #tpu.memory_space<hbm>> -> memref<1024xf32, #tpu.memory_space<hbm>>
      %dma_wait3A_62 = arith.constant 0 : i32
      %dma_wait3A_63 = tpu.memref_slice %arg6[%add3A, %dma_wait3A_62] : memref<32x1024xf32, #tpu.memory_space<hbm>> -> memref<1x1024xf32, #tpu.memory_space<hbm>>
      %dma_wait3A_64 = tpu.memref_squeeze %dma_wait3A_63 : memref<1x1024xf32, #tpu.memory_space<hbm>> -> memref<1024xf32, #tpu.memory_space<hbm>>
      tpu.wait_dma2 semaphore(%run_scoped3A : memref<!tpu.dma_semaphore, #tpu.memory_space<semaphore_mem>>) src(%arg13 : memref<1024xf32, #tpu.memory_space<vmem>>) dst(%dma_wait3A_64 : memref<1024xf32, #tpu.memory_space<hbm>>)
      tpu.yield
    }) : () -> ()
    "tpu.region"() ({
      %run_scoped3A = tpu.sem_alloc : memref<!tpu.dma_semaphore, #tpu.memory_space<semaphore_mem>>
      %dma_start3A_53 = arith.constant 0 : i32
      %dma_start3A_54 = tpu.memref_slice %arg7[%add3A, %dma_start3A_53] : memref<32x1024xi32, #tpu.memory_space<hbm>> -> memref<1x1024xi32, #tpu.memory_space<hbm>>
      %dma_start3A_55 = tpu.memref_squeeze %dma_start3A_54 : memref<1x1024xi32, #tpu.memory_space<hbm>> -> memref<1024xi32, #tpu.memory_space<hbm>>
      %dma_start3A_56 = arith.constant 0 : i32
      %dma_start3A_57 = tpu.memref_slice %arg7[%add3A, %dma_start3A_56] : memref<32x1024xi32, #tpu.memory_space<hbm>> -> memref<1x1024xi32, #tpu.memory_space<hbm>>
      %dma_start3A_58 = tpu.memref_squeeze %dma_start3A_57 : memref<1x1024xi32, #tpu.memory_space<hbm>> -> memref<1024xi32, #tpu.memory_space<hbm>>
      tpu.enqueue_dma source(%arg14 : memref<1024xi32, #tpu.memory_space<vmem>>) target(%dma_start3A_58 : memref<1024xi32, #tpu.memory_space<hbm>>) target_semaphore(%run_scoped3A : memref<!tpu.dma_semaphore, #tpu.memory_space<semaphore_mem>>)
      %dma_wait3A_59 = arith.constant 0 : i32
      %dma_wait3A_60 = tpu.memref_slice %arg7[%add3A, %dma_wait3A_59] : memref<32x1024xi32, #tpu.memory_space<hbm>> -> memref<1x1024xi32, #tpu.memory_space<hbm>>
      %dma_wait3A_61 = tpu.memref_squeeze %dma_wait3A_60 : memref<1x1024xi32, #tpu.memory_space<hbm>> -> memref<1024xi32, #tpu.memory_space<hbm>>
      %dma_wait3A_62 = arith.constant 0 : i32
      %dma_wait3A_63 = tpu.memref_slice %arg7[%add3A, %dma_wait3A_62] : memref<32x1024xi32, #tpu.memory_space<hbm>> -> memref<1x1024xi32, #tpu.memory_space<hbm>>
      %dma_wait3A_64 = tpu.memref_squeeze %dma_wait3A_63 : memref<1x1024xi32, #tpu.memory_space<hbm>> -> memref<1024xi32, #tpu.memory_space<hbm>>
      tpu.wait_dma2 semaphore(%run_scoped3A : memref<!tpu.dma_semaphore, #tpu.memory_space<semaphore_mem>>) src(%arg14 : memref<1024xi32, #tpu.memory_space<vmem>>) dst(%dma_wait3A_64 : memref<1024xi32, #tpu.memory_space<hbm>>)
      tpu.yield
    }) : () -> ()
    %mul3A_45 = arith.constant 32 : i32
    %mul3A_46 = arith.muli %add3A, %mul3A_45 : i32
    "tpu.region"() ({
      %run_scoped3A = tpu.sem_alloc : memref<!tpu.dma_semaphore, #tpu.memory_space<semaphore_mem>>
      %dma_start3A_53 = tpu.memref_slice %arg4[%mul3A_46] : memref<1024xi32, #tpu.memory_space<hbm>> -> memref<32xi32, #tpu.memory_space<hbm>>
      %dma_start3A_54 = tpu.memref_slice %arg4[%mul3A_46] : memref<1024xi32, #tpu.memory_space<hbm>> -> memref<32xi32, #tpu.memory_space<hbm>>
      tpu.enqueue_dma source(%dma_start3A_54 : memref<32xi32, #tpu.memory_space<hbm>>) target(%arg15 : memref<32xi32, #tpu.memory_space<vmem>>) target_semaphore(%run_scoped3A : memref<!tpu.dma_semaphore, #tpu.memory_space<semaphore_mem>>)
      %dma_wait3A_55 = tpu.memref_slice %arg4[%mul3A_46] : memref<1024xi32, #tpu.memory_space<hbm>> -> memref<32xi32, #tpu.memory_space<hbm>>
      %dma_wait3A_56 = tpu.memref_slice %arg4[%mul3A_46] : memref<1024xi32, #tpu.memory_space<hbm>> -> memref<32xi32, #tpu.memory_space<hbm>>
      tpu.wait_dma2 semaphore(%run_scoped3A : memref<!tpu.dma_semaphore, #tpu.memory_space<semaphore_mem>>) src(%dma_wait3A_56 : memref<32xi32, #tpu.memory_space<hbm>>) dst(%arg15 : memref<32xi32, #tpu.memory_space<vmem>>)
      tpu.yield
    }) : () -> ()
    %dma_start3A = arith.constant 0 : i32
    %dma_start3A_47 = tpu.memref_slice %arg2[%dma_start3A] : memref<1048576xf32, #tpu.memory_space<hbm>> -> memref<1048576xf32, #tpu.memory_space<hbm>>
    tpu.enqueue_indirect_dma source(%dma_start3A_47 : memref<1048576xf32, #tpu.memory_space<hbm>>) target(%arg16 : memref<32xf32, #tpu.memory_space<vmem>>) offsets(%arg15 : memref<32xi32, #tpu.memory_space<vmem>>) semaphore(%arg18 : memref<!tpu.dma_semaphore, #tpu.memory_space<semaphore_mem>>)
    %dma_wait3A = arith.constant 0 : i32
    %dma_wait3A_48 = tpu.memref_slice %arg2[%dma_wait3A] : memref<1048576xf32, #tpu.memory_space<hbm>> -> memref<1048576xf32, #tpu.memory_space<hbm>>
    tpu.wait_indirect_dma semaphore(%arg18 : memref<!tpu.dma_semaphore, #tpu.memory_space<semaphore_mem>>) src(%dma_wait3A_48 : memref<1048576xf32, #tpu.memory_space<hbm>>) dst(%arg16 : memref<32xf32, #tpu.memory_space<vmem>>)
    %dma_start3A_49 = arith.constant 0 : i32
    %dma_start3A_50 = tpu.memref_slice %arg3[%dma_start3A_49] : memref<1048576xi32, #tpu.memory_space<hbm>> -> memref<1048576xi32, #tpu.memory_space<hbm>>
    tpu.enqueue_indirect_dma source(%dma_start3A_50 : memref<1048576xi32, #tpu.memory_space<hbm>>) target(%arg17 : memref<32xi32, #tpu.memory_space<vmem>>) offsets(%arg15 : memref<32xi32, #tpu.memory_space<vmem>>) semaphore(%arg18 : memref<!tpu.dma_semaphore, #tpu.memory_space<semaphore_mem>>)
    %dma_wait3A_51 = arith.constant 0 : i32
    %dma_wait3A_52 = tpu.memref_slice %arg3[%dma_wait3A_51] : memref<1048576xi32, #tpu.memory_space<hbm>> -> memref<1048576xi32, #tpu.memory_space<hbm>>
    tpu.wait_indirect_dma semaphore(%arg18 : memref<!tpu.dma_semaphore, #tpu.memory_space<semaphore_mem>>) src(%dma_wait3A_52 : memref<1048576xi32, #tpu.memory_space<hbm>>) dst(%arg17 : memref<32xi32, #tpu.memory_space<vmem>>)
    "tpu.region"() ({
      %run_scoped3A = tpu.sem_alloc : memref<!tpu.dma_semaphore, #tpu.memory_space<semaphore_mem>>
      %dma_start3A_53 = tpu.memref_slice %arg8[%mul3A_46] : memref<1024xf32, #tpu.memory_space<hbm>> -> memref<32xf32, #tpu.memory_space<hbm>>
      %dma_start3A_54 = tpu.memref_slice %arg8[%mul3A_46] : memref<1024xf32, #tpu.memory_space<hbm>> -> memref<32xf32, #tpu.memory_space<hbm>>
      tpu.enqueue_dma source(%arg16 : memref<32xf32, #tpu.memory_space<vmem>>) target(%dma_start3A_54 : memref<32xf32, #tpu.memory_space<hbm>>) target_semaphore(%run_scoped3A : memref<!tpu.dma_semaphore, #tpu.memory_space<semaphore_mem>>)
      %dma_wait3A_55 = tpu.memref_slice %arg8[%mul3A_46] : memref<1024xf32, #tpu.memory_space<hbm>> -> memref<32xf32, #tpu.memory_space<hbm>>
      %dma_wait3A_56 = tpu.memref_slice %arg8[%mul3A_46] : memref<1024xf32, #tpu.memory_space<hbm>> -> memref<32xf32, #tpu.memory_space<hbm>>
      tpu.wait_dma2 semaphore(%run_scoped3A : memref<!tpu.dma_semaphore, #tpu.memory_space<semaphore_mem>>) src(%arg16 : memref<32xf32, #tpu.memory_space<vmem>>) dst(%dma_wait3A_56 : memref<32xf32, #tpu.memory_space<hbm>>)
      tpu.yield
    }) : () -> ()
    "tpu.region"() ({
      %run_scoped3A = tpu.sem_alloc : memref<!tpu.dma_semaphore, #tpu.memory_space<semaphore_mem>>
      %dma_start3A_53 = tpu.memref_slice %arg9[%mul3A_46] : memref<1024xi32, #tpu.memory_space<hbm>> -> memref<32xi32, #tpu.memory_space<hbm>>
      %dma_start3A_54 = tpu.memref_slice %arg9[%mul3A_46] : memref<1024xi32, #tpu.memory_space<hbm>> -> memref<32xi32, #tpu.memory_space<hbm>>
      tpu.enqueue_dma source(%arg17 : memref<32xi32, #tpu.memory_space<vmem>>) target(%dma_start3A_54 : memref<32xi32, #tpu.memory_space<hbm>>) target_semaphore(%run_scoped3A : memref<!tpu.dma_semaphore, #tpu.memory_space<semaphore_mem>>)
      %dma_wait3A_55 = tpu.memref_slice %arg9[%mul3A_46] : memref<1024xi32, #tpu.memory_space<hbm>> -> memref<32xi32, #tpu.memory_space<hbm>>
      %dma_wait3A_56 = tpu.memref_slice %arg9[%mul3A_46] : memref<1024xi32, #tpu.memory_space<hbm>> -> memref<32xi32, #tpu.memory_space<hbm>>
      tpu.wait_dma2 semaphore(%run_scoped3A : memref<!tpu.dma_semaphore, #tpu.memory_space<semaphore_mem>>) src(%arg17 : memref<32xi32, #tpu.memory_space<vmem>>) dst(%dma_wait3A_56 : memref<32xi32, #tpu.memory_space<hbm>>)
      tpu.yield
    }) : () -> ()
    return
  }
}

module attributes {stable_mosaic.version = 14 : i64} {
  func.func @_tactic_kernel(%arg0: i32, %arg1: memref<128x4096xf32, #tpu.memory_space<vmem>>, %arg2: memref<128xi32, #tpu.memory_space<vmem>>, %arg3: memref<128xi32, #tpu.memory_space<vmem>>, %arg4: memref<128xf32, #tpu.memory_space<vmem>>) attributes {dimension_semantics = [#tpu.dimension_semantics<arbitrary>], iteration_bounds = array<i64: 8>, scalar_prefetch = 0 : i64, scratch_operands = 0 : i64, tpu.core_type = #tpu.core_type<tc>, window_params = [{transform_indices = @transform_0, window_bounds = array<i64: 128, 4096>}, {transform_indices = @transform_1, window_bounds = array<i64: 128>}, {transform_indices = @transform_2, window_bounds = array<i64: 128>}, {transform_indices = @transform_3, window_bounds = array<i64: 128>}]} {
    %get3A = arith.constant 0 : index
    %get3A_0 = arith.constant 0 : index
    %get3A_1 = vector.load %arg1[%get3A, %get3A_0] : memref<128x4096xf32, #tpu.memory_space<vmem>>, vector<128x4096xf32>
    %reduce_max3A = arith.constant dense<0xFF800000> : vector<128xf32>
    %reduce_max3A_2 = vector.multi_reduction <maximumf>, %get3A_1, %reduce_max3A [1] : vector<128x4096xf32> to vector<128xf32>
    %iota3A = tpu.iota {dimensions = array<i32: 1>} : vector<128x4096xi32>
    %broadcast_in_dim3A = vector.shape_cast %reduce_max3A_2 : vector<128xf32> to vector<128x1xf32>
    %eq3A = vector.broadcast %broadcast_in_dim3A : vector<128x1xf32> to vector<128x4096xf32>
    %eq3A_3 = arith.cmpf oeq, %get3A_1, %eq3A : vector<128x4096xf32>
    %jit3A = arith.constant 4096 : i32
    %broadcast_in_dim3A_4 = vector.broadcast %jit3A : i32 to vector<128x4096xi32>
    %select_n3A = arith.select %eq3A_3, %iota3A, %broadcast_in_dim3A_4 : vector<128x4096xi1>, vector<128x4096xi32>
    %reduce_min3A = arith.constant dense<2147483647> : vector<128xi32>
    %reduce_min3A_5 = vector.multi_reduction <minsi>, %select_n3A, %reduce_min3A [1] : vector<128x4096xi32> to vector<128xi32>
    %swap3A = arith.constant 0 : index
    %swap3A_6 = vector.load %arg3[%swap3A] : memref<128xi32, #tpu.memory_space<vmem>>, vector<128xi32>
    tpu.vector_store %arg3[%swap3A], %reduce_min3A_5 {strides = array<i32>} : memref<128xi32, #tpu.memory_space<vmem>>, vector<128xi32>,
    %broadcast_in_dim3A_7 = vector.shape_cast %reduce_max3A_2 : vector<128xf32> to vector<128x1xf32>
    %sub3A = vector.broadcast %broadcast_in_dim3A_7 : vector<128x1xf32> to vector<128x4096xf32>
    %sub3A_8 = arith.subf %get3A_1, %sub3A : vector<128x4096xf32>
    %exp3A = math.exp %sub3A_8 : vector<128x4096xf32>
    %reduce_sum3A = arith.constant dense<0.000000e+00> : vector<128xf32>
    %reduce_sum3A_9 = vector.multi_reduction <add>, %exp3A, %reduce_sum3A [1] : vector<128x4096xf32> to vector<128xf32>
    %log3A = math.log %reduce_sum3A_9 : vector<128xf32>
    %add3A = arith.addf %reduce_max3A_2, %log3A : vector<128xf32>
    %get3A_10 = arith.constant 0 : index
    %get3A_11 = vector.load %arg2[%get3A_10] : memref<128xi32, #tpu.memory_space<vmem>>, vector<128xi32>
    %broadcast_in_dim3A_12 = vector.shape_cast %get3A_11 : vector<128xi32> to vector<128x1xi32>
    %eq3A_13 = vector.broadcast %broadcast_in_dim3A_12 : vector<128x1xi32> to vector<128x4096xi32>
    %eq3A_14 = arith.cmpi eq, %iota3A, %eq3A_13 : vector<128x4096xi32>
    %jit3A_15 = arith.constant 0.000000e+00 : f32
    %broadcast_in_dim3A_16 = vector.broadcast %jit3A_15 : f32 to vector<128x4096xf32>
    %select_n3A_17 = arith.select %eq3A_14, %get3A_1, %broadcast_in_dim3A_16 : vector<128x4096xi1>, vector<128x4096xf32>
    %reduce_sum3A_18 = arith.constant dense<0.000000e+00> : vector<128xf32>
    %reduce_sum3A_19 = vector.multi_reduction <add>, %select_n3A_17, %reduce_sum3A_18 [1] : vector<128x4096xf32> to vector<128xf32>
    %sub3A_20 = arith.subf %add3A, %reduce_sum3A_19 : vector<128xf32>
    %swap3A_21 = arith.constant 0 : index
    %swap3A_22 = vector.load %arg4[%swap3A_21] : memref<128xf32, #tpu.memory_space<vmem>>, vector<128xf32>
    tpu.vector_store %arg4[%swap3A_21], %sub3A_20 {strides = array<i32>} : memref<128xf32, #tpu.memory_space<vmem>>, vector<128xf32>,
    return
  }
  func.func @transform_0(%arg0: i32) -> (i32, i32) {
    %c0_i32 = arith.constant 0 : i32
    %c0_i32_0 = arith.constant 0 : i32
    return %arg0, %c0_i32 : i32, i32
  }
  func.func @transform_1(%arg0: i32) -> i32 {
    %c0_i32 = arith.constant 0 : i32
    return %arg0 : i32
  }
  func.func @transform_2(%arg0: i32) -> i32 {
    %c0_i32 = arith.constant 0 : i32
    return %arg0 : i32
  }
  func.func @transform_3(%arg0: i32) -> i32 {
    %c0_i32 = arith.constant 0 : i32
    return %arg0 : i32
  }
}

module attributes {stable_mosaic.version = 14 : i64} {
  func.func @_merge_kernel(%arg0: memref<32x1024xf32, #tpu.memory_space<vmem>>, %arg1: memref<32x1024xf32, #tpu.memory_space<vmem>>, %arg2: memref<32x1024xi32, #tpu.memory_space<vmem>>, %arg3: memref<1024xf32, #tpu.memory_space<vmem>>, %arg4: memref<1024xi32, #tpu.memory_space<vmem>>, %arg5: memref<1024xi32, #tpu.memory_space<vmem>>, %arg6: memref<1024xf32, #tpu.memory_space<vmem>>, %arg7: memref<1024xi32, #tpu.memory_space<vmem>>) attributes {dimension_semantics = [], scalar_prefetch = 0 : i64, scratch_operands = 0 : i64, tpu.core_type = #tpu.core_type<tc>} {
    %get3A = arith.constant 0 : index
    %get3A_0 = arith.constant 0 : index
    %get3A_1 = vector.load %arg0[%get3A, %get3A_0] : memref<32x1024xf32, #tpu.memory_space<vmem>>, vector<32x1024xf32>
    %get3A_2 = arith.constant 0 : index
    %get3A_3 = arith.constant 0 : index
    %get3A_4 = vector.load %arg1[%get3A_2, %get3A_3] : memref<32x1024xf32, #tpu.memory_space<vmem>>, vector<32x1024xf32>
    %get3A_5 = arith.constant 0 : index
    %get3A_6 = arith.constant 0 : index
    %get3A_7 = vector.load %arg2[%get3A_5, %get3A_6] : memref<32x1024xi32, #tpu.memory_space<vmem>>, vector<32x1024xi32>
    %reduce_max3A = arith.constant dense<0xFF800000> : vector<1024xf32>
    %reduce_max3A_8 = vector.multi_reduction <maximumf>, %get3A_1, %reduce_max3A [0] : vector<32x1024xf32> to vector<1024xf32>
    %reduce_sum3A = arith.constant dense<0.000000e+00> : vector<1024xf32>
    %reduce_sum3A_9 = vector.multi_reduction <add>, %get3A_4, %reduce_sum3A [0] : vector<32x1024xf32> to vector<1024xf32>
    %broadcast_in_dim3A = vector.shape_cast %reduce_max3A_8 : vector<1024xf32> to vector<1x1024xf32>
    %eq3A = vector.broadcast %broadcast_in_dim3A : vector<1x1024xf32> to vector<32x1024xf32>
    %eq3A_10 = arith.cmpf oeq, %get3A_1, %eq3A : vector<32x1024xf32>
    %jit3A = arith.constant 2147483647 : i32
    %broadcast_in_dim3A_11 = vector.broadcast %jit3A : i32 to vector<32x1024xi32>
    %select_n3A = arith.select %eq3A_10, %get3A_7, %broadcast_in_dim3A_11 : vector<32x1024xi1>, vector<32x1024xi32>
    %reduce_min3A = arith.constant dense<2147483647> : vector<1024xi32>
    %reduce_min3A_12 = vector.multi_reduction <minsi>, %select_n3A, %reduce_min3A [0] : vector<32x1024xi32> to vector<1024xi32>
    %swap3A = arith.constant 0 : index
    %swap3A_13 = vector.load %arg5[%swap3A] : memref<1024xi32, #tpu.memory_space<vmem>>, vector<1024xi32>
    tpu.vector_store %arg5[%swap3A], %reduce_min3A_12 {strides = array<i32>} : memref<1024xi32, #tpu.memory_space<vmem>>, vector<1024xi32>,
    %log3A = math.log %reduce_sum3A_9 : vector<1024xf32>
    %get3A_14 = arith.constant 0 : index
    %get3A_15 = vector.load %arg4[%get3A_14] : memref<1024xi32, #tpu.memory_space<vmem>>, vector<1024xi32>
    %iota3A = tpu.iota {dimensions = array<i32: 1>} : vector<1024x1024xi32>
    %broadcast_in_dim3A_16 = vector.shape_cast %get3A_15 : vector<1024xi32> to vector<1024x1xi32>
    %eq3A_17 = vector.broadcast %broadcast_in_dim3A_16 : vector<1024x1xi32> to vector<1024x1024xi32>
    %eq3A_18 = arith.cmpi eq, %iota3A, %eq3A_17 : vector<1024x1024xi32>
    %broadcast_in_dim3A_19 = vector.shape_cast %log3A : vector<1024xf32> to vector<1x1024xf32>
    %jit3A_20 = arith.constant 0.000000e+00 : f32
    %broadcast_in_dim3A_21 = vector.shape_cast %broadcast_in_dim3A_19 : vector<1x1024xf32> to vector<1x1024xf32>
    %broadcast_in_dim3A_22 = vector.broadcast %broadcast_in_dim3A_21 : vector<1x1024xf32> to vector<1024x1024xf32>
    %broadcast_in_dim3A_23 = vector.broadcast %jit3A_20 : f32 to vector<1024x1024xf32>
    %select_n3A_24 = arith.select %eq3A_18, %broadcast_in_dim3A_22, %broadcast_in_dim3A_23 : vector<1024x1024xi1>, vector<1024x1024xf32>
    %reduce_sum3A_25 = arith.constant dense<0.000000e+00> : vector<1024xf32>
    %reduce_sum3A_26 = vector.multi_reduction <add>, %select_n3A_24, %reduce_sum3A_25 [1] : vector<1024x1024xf32> to vector<1024xf32>
    %get3A_27 = arith.constant 0 : index
    %get3A_28 = vector.load %arg3[%get3A_27] : memref<1024xf32, #tpu.memory_space<vmem>>, vector<1024xf32>
    %sub3A = arith.subf %reduce_sum3A_26, %get3A_28 : vector<1024xf32>
    %swap3A_29 = arith.constant 0 : index
    %swap3A_30 = vector.load %arg6[%swap3A_29] : memref<1024xf32, #tpu.memory_space<vmem>>, vector<1024xf32>
    tpu.vector_store %arg6[%swap3A_29], %sub3A {strides = array<i32>} : memref<1024xf32, #tpu.memory_space<vmem>>, vector<1024xf32>,
    %iota3A_31 = tpu.iota {dimensions = array<i32: 1>} : vector<1x1024xi32>
    %iota3A_32 = vector.shape_cast %iota3A_31 : vector<1x1024xi32> to vector<1024xi32>
    %swap3A_33 = arith.constant 0 : index
    %swap3A_34 = vector.load %arg7[%swap3A_33] : memref<1024xi32, #tpu.memory_space<vmem>>, vector<1024xi32>
    tpu.vector_store %arg7[%swap3A_33], %iota3A_32 {strides = array<i32>} : memref<1024xi32, #tpu.memory_space<vmem>>, vector<1024xi32>,
    return
  }
}

</mosaic_0001>

<sc_bundles>
// kernel: kernel.5.cloned.1.call-start
scs
__scs_entry_jumppad:
0x0: {  	(pc) =	sbr.rel $0x88, $3  }
0x1: {  	(tag) =	ssettag $0x0;
	lr =	simm.s32 $0x1  }
0x2: {  	[smem:$0x3F9C] =	sst lr;
	_ =	strace $0xD0000000  }
0x3: {  	_ = 	snop  }
0x4: {  	_ = 	snop  }
0x5: {  	_ = 	snop  }
0x6: {  	_ = 	snop  }
0x7: {  	_ = 	snop  }
__scs_overlays_trampoline_lowered:
0x8: {  	[smem:$0x3FAB] =	sst s0  }
0x9: {  	[smem:$0x3FAC] =	sst s1  }
0xa: {  	[smem:$0x3FAD] =	sst s2  }
0xb: {  	[smem:$0x3FAE] =	sst s3  }
0xc: {  	[smem:$0x3FAF] =	sst s4  }
0xd: {  	[smem:$0x3FB0] =	sst s5  }
0xe: {  	[smem:$0x3FB1] =	sst s6  }
0xf: {  	[smem:$0x3FB2] =	sst s7  }
0x10: {  	[smem:$0x3FB3] =	sst s8  }
0x11: {  	[smem:$0x3FB4] =	sst s9;
	s0 =	simm.s32 @!p0 $0x0  }
0x12: {  	s1 =	sld [smem:$0x3F9A];
	s0 =	simm.s32 @p0 $0x1  }
0x13: {  	[smem:$0x3FB5] =	sst s0;
	s0 =	simm.s32 @!p1 $0x0  }
0x14: {  	s2 =	sld [smem:$0x3F99];
	s0 =	simm.s32 @p1 $0x1  }
0x15: {  	[smem:$0x3FB6] =	sst s0;
	s0 =	simm.s32 @!p2 $0x0  }
0x16: {  	s3 =	sld [smem:$0x3FDB];
	s0 =	simm.s32 @p2 $0x1  }
0x17: {  	s4 =	simm.s32 $0x1BF5;
	[smem:$0x3FB8] =	sst s0  }
0x18: {  	s0 =	sld [smem:$0x3F9B];
	_ =	swait.ge [sflag:s4], $0x0  }
0x19: {  	s7 =	sld [smem:$0x3F9C]  }
0x1a: {  	s8 =	sadd.s32 $0xFFFFE003, lr  }
0x1b: {  	s9 =	sadd.s32 $0xFFFFFEF7, lr;
	s5 =	simm.s32 $0xFFFFFFFF;
	p2 =	slt.u32 s8, $0xFFFFF086  }
0x1c: {  	p1 =	slt.u32 s9, $0xF7A;
	s5 =	simm.s32 @!p2 $0x0  }
0x1d: {  	s5 =	simm.s32 @p1 $0x1;
	p0 =	seq.s32 s7, s2  }
0x1e: {  	s7 =	smul.u32 @!p0 $0xF7A, s2;
	p2 =	seq.s32 @!p0 s5, $0x0  }
0x1f: {  	s9 =	smul.u32 $0xF7A, s1;
	s8 =	simm.s32 @!p0 $0x1BF5;
	p2 =	por !p2, p0  }
0x20: {  	[sflag:s8] =	ssyncset.s32 @!p0 $0xFFFFF086;
	s6 =	sadd.s32 @!p0 s3, s7;
	s7 =	simm.s32 @!p0 $0x108  }
0x21: {  	s3 =	sadd.s32 s3, s9;
	s6 =	sadd.s32 @!p0 $0x88, s6;
	s7 =	simm.s32 @p2 $0x1082  }
0x22: {  	[simem:s7], [sflag:s8] =	dma.local @!p0 [hbm:s6], $0xF7A  }
0x23: {  	s9 =	sor.u32 $0xD0000000, s2;
	s6 =	simm.s32 $0x108;
	_ =	swait.ge @!p0 [sflag:s8], $0x0  }
0x24: {  	s3 =	sadd.s32 $0x88, s3;
	s6 =	simm.s32 @!p1 $0x1082;
	[sflag:s4] =	ssyncset.s32 $0xFFFFF086  }
0x25: {  	[simem:s6], [sflag:s4] =	dma.local [hbm:s3], $0xF7A  }
0x26: {  	[smem:$0x3F9C] =	sst s1;
	(tag) =	ssettag s2;
	_ =	strace s9  }
0x27: {  	s1 =	sld [smem:$0x3FAC]  }
0x28: {  	s2 =	sld [smem:$0x3FAD]  }
0x29: {  	s4 =	sld [smem:$0x3FAF]  }
0x2a: {  	p0 =	seq.s32 s5, $0x0;
	s5 =	sld [smem:$0x3FB0]  }
0x2b: {  	s6 =	sld [smem:$0x3FB1]  }
0x2c: {  	s7 =	sld [smem:$0x3FB2]  }
0x2d: {  	s3 =	simm.s32 $0x108;
	s8 =	sld [smem:$0x3FB3]  }
0x2e: {  	s3 =	simm.s32 @!p0 $0x1082;
	s9 =	sld [smem:$0x3FB4]  }
0x2f: {  	lr =	sadd.s32 s0, s3;
	s0 =	sld [smem:$0x3FAB]  }
0x30: {  	s3 =	sld [smem:$0x3FAE]  }
0x31: {  	[smem:$0x3FB7] =	sst s10  }
0x32: {  	s10 =	sld [smem:$0x3FB5];
	_ =	sdelay $0x3  }
0x33: {  	p0 =	seq.s32 s10, $0x1;
	s10 =	sld [smem:$0x3FB7];
	_ =	sdelay $0x3  }
0x34: {  	[smem:$0x3FB7] =	sst s10  }
0x35: {  	s10 =	sld [smem:$0x3FB6];
	_ =	sdelay $0x3  }
0x36: {  	p1 =	seq.s32 s10, $0x1;
	s10 =	sld [smem:$0x3FB7];
	_ =	sdelay $0x3  }
0x37: {  	[smem:$0x3FB7] =	sst s10  }
0x38: {  	s10 =	sld [smem:$0x3FB8]  }
0x39: {  	_ = 	snop;
	(pc) =	sbr.ind lr, $3  }
0x3a: {  	_ = 	snop  }
0x3b: {  	_ = 	snop  }
0x3c: {  	p2 =	seq.s32 s10, $0x1;
	s10 =	sld [smem:$0x3FB7]  }
0x3d: {  	_ =	shalt  }
0x3e: {  	_ =	shalt  }
0x3f: {  	_ =	shalt  }
0x40: {  	_ =	shalt  }
0x41: {  	_ =	shalt  }
0x42: {  	_ =	shalt  }
0x43: {  	_ =	shalt  }
0x44: {  	_ =	shalt  }
0x45: {  	_ =	shalt  }
0x46: {  	_ =	shalt  }
0x47: {  	_ =	shalt  }
0x48: {  	_ =	shalt  }
0x49: {  	_ =	shalt  }
0x4a: {  	_ =	shalt  }
0x4b: {  	_ =	shalt  }
0x4c: {  	_ =	shalt  }
0x4d: {  	_ =	shalt  }
0x4e: {  	_ =	shalt  }
0x4f: {  	_ =	shalt  }
0x50: {  	_ =	shalt  }
0x51: {  	_ =	shalt  }
0x52: {  	_ =	shalt  }
0x53: {  	_ =	shalt  }
0x54: {  	_ =	shalt  }
0x55: {  	_ =	shalt  }
0x56: {  	_ =	shalt  }
0x57: {  	_ =	shalt  }
0x58: {  	_ =	shalt  }
0x59: {  	_ =	shalt  }
0x5a: {  	_ =	shalt  }
0x5b: {  	_ =	shalt  }
0x5c: {  	_ =	shalt  }
0x5d: {  	_ =	shalt  }
0x5e: {  	_ =	shalt  }
0x5f: {  	_ =	shalt  }
0x60: {  	_ =	shalt  }
0x61: {  	_ =	shalt  }
0x62: {  	_ =	shalt  }
0x63: {  	_ =	shalt  }
0x64: {  	_ =	shalt  }
0x65: {  	_ =	shalt  }
0x66: {  	_ =	shalt  }
0x67: {  	_ =	shalt  }
0x68: {  	_ =	shalt  }
0x69: {  	_ =	shalt  }
0x6a: {  	_ =	shalt  }
0x6b: {  	_ =	shalt  }
0x6c: {  	_ =	shalt  }
0x6d: {  	_ =	shalt  }
0x6e: {  	_ =	shalt  }
0x6f: {  	_ =	shalt  }
0x70: {  	_ =	shalt  }
0x71: {  	_ =	shalt  }
0x72: {  	_ =	shalt  }
0x73: {  	_ =	shalt  }
0x74: {  	_ =	shalt  }
0x75: {  	_ =	shalt  }
0x76: {  	_ =	shalt  }
0x77: {  	_ =	shalt  }
0x78: {  	_ =	shalt  }
0x79: {  	_ =	shalt  }
0x7a: {  	_ =	shalt  }
0x7b: {  	_ =	shalt  }
0x7c: {  	_ =	shalt  }
0x7d: {  	_ =	shalt  }
0x7e: {  	_ =	shalt  }
0x7f: {  	_ =	shalt  }
0x80: {  	_ =	shalt  }
0x81: {  	_ =	shalt  }
0x82: {  	_ =	shalt  }
0x83: {  	_ =	shalt  }
0x84: {  	_ =	shalt  }
0x85: {  	_ =	shalt  }
0x86: {  	_ =	shalt  }
0x87: {  	_ =	shalt  }
.Lfunc_end0:
.L_simem_size_0:
called_computation_lowered:
.L_overlay_start_0:
0x88: {  	s2 =	sld [smem:$0x3FD9]  }
0x89: {  	s3 =	sld [smem:$0x3FFE];
	_ =	sdelay $0x1  }
0x8a: {  	s1 =	srdreg.scid  }
0x8b: {  	s0 =	sand.u32 $0x1, s1  }
0x8c: {  	s14 =	sshll.u32 s0, $0xA;
	s2 =	sadd.s32 s3, s2  }
0x8d: {  	s2 =	sadd.s32 s2, s14  }
0x8e: {  	[smem:$0x3FC3] =	sst s2  }
0x8f: {  	_ = 	snop  }
0x90: {  	s2 =	sld [smem:$0x3FD0]  }
0x91: {  	s15 =	sld [smem:$0x3FC7]  }
0x92: {  	s4 =	sld [smem:$0x3FC6]  }
0x93: {  	s6 =	simm.s32 $0xA;
	s7 =	simm.s32 $0x10;
	s5 =	sld [smem:$0x3FC5]  }
0x94: {  	[smem:s7], [sflag:s6] =	dma.local [hbm:s2], $0x1  }
0x95: {  	_ =	swait.eq [sflag:s6], $0x1  }
0x96: {  	[sflag:s6] =	ssyncset.done $0x0  }
0x97: {  	s16 =	sld [smem:$0x11];
	[sflag:s6] =	ssyncadd.s32 $0xFFFFFFFF  }
0x98: {  	s17 =	sld [smem:$0x14];
	(tm) =	ssettm $0x1  }
0x99: {  	s18 =	sld [smem:$0x3FFB];
	_ =	sdelay $0x3  }
0x9a: {  	_ =	strace s18  }
0x9b: {  	s7 =	sld [smem:$0x3FFC];
	_ =	sdelay $0x3  }
0x9c: {  	_ =	strace s7  }
0x9d: {  	s7 =	sld [smem:$0x3FFD];
	_ =	sdelay $0x3  }
0x9e: {  	_ =	strace s7  }
0x9f: {  	_ =	strace $0x8FFFFFFF  }
0xa0: {  	s19 =	sld [smem:$0x3FDB];
	_ =	sdelay $0x1  }
0xa1: {  	s8 =	simm.s32 $_scs_section_size  }
0xa2: {  	s9 =	simm.s32 $_size__tile_overlayer_lowered;
	s10 =	simm.s32 $_tile_overlayer_lowered  }
0xa3: {  	s22 =	simm.s32 $0x1BFF;
	s21 =	sshll.u32 s10, $0x1;
	s7 =	sadd.s32 s8, s19  }
0xa4: {  	s11 =	simm.s32 $0x0;
	s20 =	sshll.u32 s9, $0x1;
	s9 =	sadd.s32 s21, s7  }
0xa5: {  	[timem:s11], [sflag:s22] =	dma.local [hbm:s9], s20  }
0xa6: {  	_ =	swait.ge [sflag:s22], s20  }
0xa7: {  	s8 =	ssub.s32 $0x0, s20;
	[sflag:s22] =	ssyncset.done $0x0  }
0xa8: {  	[sflag:s22] =	ssyncadd.s32 s8;
	_ =	sdelay $0x1  }
0xa9: {  	s23 =	simm.s32 $0x1B8B  }
0xaa: {  	_ =	swait.ge [sflag:s23], $0x1  }
0xab: {  	[sflag:s23] =	ssyncset.done $0x0  }
0xac: {  	s25 =	simm.s32 $0x1B8E;
	s24 =	sld [smem:$0x3FFE];
	[sflag:s23] =	ssyncadd.s32 $0xFFFFFFFF  }
0xad: {  	s26 =	simm.s32 $execute0_lowered;
	[smem:$0x3FD2] =	sst s25  }
0xae: {  	s9 =	sshll.u32 s26, $0x1;
	_ =	strace $0x80000046;
	[dreg:$0x1] =	wrdreg $0xFFFFFFFF  }
0xaf: {  	s28 =	simm.s32 $_size_execute0_lowered;
	s7 =	sadd.s32 s7, s9;
	[dreg:$0x0] =	wrdreg $0x0  }
0xb0: {  	s9 =	sshll.u32 s28, $0x1;
	[dreg:$0x2] =	wrdreg s7  }
0xb1: {  	[dreg:$0x3] =	wrdreg s9  }
0xb2: {  	[dreg:$0x4] =	wrdreg $0xC0  }
0xb3: {  	_ =	task [dreg:s11], $0x5FFFF  }
0xb4: {  	[dreg:$0x1] =	wrdreg $0xFFFFFFFF  }
0xb5: {  	[dreg:$0x0] =	wrdreg $0x60  }
0xb6: {  	[dreg:$0x2] =	wrdreg s15  }
0xb7: {  	[dreg:$0x3] =	wrdreg s4  }
0xb8: {  	[dreg:$0x4] =	wrdreg s5  }
0xb9: {  	[dreg:$0x5] =	wrdreg s24  }
0xba: {  	[dreg:$0x6] =	wrdreg s16  }
0xbb: {  	[dreg:$0x7] =	wrdreg s17  }
0xbc: {  	[dreg:$0x8] =	wrdreg $0x9  }
0xbd: {  	_ =	task.clear_ibuf [dreg:s11], $0x9FFFF;
	_ =	strace $0x90000046  }
0xbe: {  	s29 =	simm.s32 $0x9;
	_ =	strace $0x80000048  }
0xbf: {  	_ =	swait.ge [sflag:s29], $0x1  }
0xc0: {  	[sflag:s29] =	ssyncadd.s32 $0xFFFFFFFF  }
0xc1: {  	_ =	strace $0x90000048  }
0xc2: {  	_ =	sfence  }
0xc3: {  	s30 =	sld [smem:$0x0];
	_ =	sdelay $0x2  }
0xc4: {  	s31 =	sshll.u32 s1, $0xD;
	s1 =	sshrl.u32 s1, $0x2  }
0xc5: {  	s3 =	sand.u32 $0x4000, s31;
	s1 =	sadd.s32 s1, s30  }
0xc6: {  	s0 =	sor.u32 s3, s0;
	s1 =	sshll.u32 s1, $0x11  }
0xc7: {  	s0 =	sor.u32 s1, s0  }
0xc8: {  	s0 =	sadd.s32 $0x8F2B, s0  }
0xc9: {  	[sflag:s0] =	ssyncadd.remote.s32 $0x1  }
0xca: {  	_ =	sfence.sel $0xFFFF  }
0xcb: {  	[dreg:$0x0] =	wrdreg $0xFFFFFFFF;
	(pc) =	sbr.abs _section_cstart, $3  }
0xcc: {  	[dreg:$0x1] =	wrdreg $0xFFFFFFFF  }
0xcd: {  	_ =	task.clear_ibuf [dreg:s11], $0x2FFFF;
	_ =	strace $0x9FFFFFFF  }
0xce: {  	(tm) =	ssettm $0x7FFFFFFF  }
0xcf: {  	_ =	shalt  }
tec
execute0_lowered:
.L_overlay_start_1:
0x0: {  	(tag) =	ssettag $0x1  }
0x1: {  	s0 =	rddreg [dreg:$0x0]  }
0x2: {  	s1 =	rddreg [dreg:$0x1]  }
0x3: {  	s10 =	rddreg [dreg:$0x2]  }
0x4: {  	s5 =	rddreg [dreg:$0x3]  }
0x5: {  	s11 =	rddreg [dreg:$0x4];
	v0 =	vimm.s32 $0xFFEDCBA9;
	s3 =	srdreg.scid  }
0x6: {  	s2 =	stileid.u32;
	s12 =	rddreg [dreg:$0x5];
	v2 =	vimm.s32 $0x87654321;
	v4 =	vimm.s32 $0xFFFEDCBA;
	v5 =	vimm.s32 $0x98765432  }
0x7: {  	vm1 =	vcmask $0x1F00;
	vm0 =	vcmask $0x2F20;
	s17 =	simm.s32 $0x10400;
	s18 =	simm.s32 $0x10000;
	s19 =	simm.s32 $0x10800;
	v1 =	vunpack.c.l.s4.s8 v0  }
0x8: {  	v10 =	vimm.s32 $0x65432100;
	s20 =	simm.s32 $0x80;
	s21 =	simm.s32 $0x400;
	s22 =	simm.s32 $0x10C00;
	v4 =	vunpack.c.l.s4.s8 v4;
	v5 =	vunpack.c.l.s4.s8 v5  }
0x9: {  	s23 =	simm.s32 $0x20;
	s24 =	simm.s32 $0x10C80;
	s28 =	simm.s32 $0x0;
	v3 =	vunpack.c.0.s8.s32 v1;
	v1 =	vunpack.c.l.s4.s8 v2;
	v2 =	vimm.s32 $0xBA987654  }
0xa: {  	s13 =	sand.u32 $0x1, s3;
	s4 =	sshll.u32 s2, $0x1;
	v0 =	vimm.f32 $-Inf;
	s3 =	rddreg [dreg:$0x6];
	v10 =	vunpack.c.l.s4.s8 v10;
	v6 =	vunpack.c.l.s4.s8 v2  }
0xb: {  	s6 =	sshll.u32 s2, $0x8;
	s30 =	sshll.u32 s2, $0x10;
	s9 =	sor.u32 s13, s4;
	v8 =	vunpack.c.0.s8.s32 v4;
	v9 =	vunpack.c.0.s8.s32 v5;
	v4 =	vimm.s32 $0xF0E0D0C  }
0xc: {  	s4 =	simm.s32 $0x0;
	s25 =	ssub.s32 $0x2, s13;
	s31 =	sshll.u32 s13, $0xF;
	v5 =	vimm.s32 $0xFEDCBA98;
	v7 =	vunpack.c.0.s8.s32 v1;
	v6 =	vunpack.c.0.s8.s32 v6  }
0xd: {  	s7 =	sshll.u32 s9, $0x4;
	[smem:$0x7FF] =	sst s4;
	s26 =	sshrl.u32 s25, $0x1;
	v10 =	vunpack.c.0.s8.s32 v10;
	v5 =	vunpack.c.l.s4.s8 v5;
	v8 =	vcombine.low v9, v8  }
0xe: {  	s29 =	sshll.u32 s9, $0xC;
	s16 =	sshll.u32 s9, $0x2;
	s6 =	sor.u32 s6, s7;
	v7 =	vcombine.low v7, v3;
	v3 =	vand.u32 $0xF, v6;
	v6 =	vimm.s32 $0xEDCBA987  }
0xf: {  	_ =	strace $0x80000047;
	v2 =	vimm.s32 $0x7FFFFFFF;
	s15 =	ssub.s32 s25, s26;
	v4 =	vunpack.c.0.s8.s32 v4;
	s10 =	sadd.s32 s10, s16;
	v6 =	vunpack.c.l.s4.s8 v6  }
0x10: {  	s11 =	sadd.s32 s11, s16;
	s12 =	sadd.s32 s12, s16;
	s16 =	simm.s32 $0x8000;
	v1 =	vimm.f32 $0.0e+00;
	v11 =	vunpack.c.0.s8.s32 v5;
	v8 =	vand.u32 $0xF, v8  }
0x11: {  	s25 =	simm.s32 $0x1;
	s26 =	simm.s32 $0x10D00;
	s6 =	sand.u32 $0xC70, s6;
	v3 =	vnsel vm1, $0xF, v3;
	v5 =	vand.u32 $0xF, v7;
	v9 =	vunpack.c.0.s8.s32 v6  }
0x12: {  	s13 =	smax.u32 s15, $0x1;
	s15 =	simm.s32 $0x2;
	s14 =	sadd.s32 s6, s5;
	v7 =	vimm.s32 $0x0;
	v3 =	vsel vm0, v4, v3;
	v4 =	vlaneseq.u32  }
0x13: {  	s5 =	sadd.s32 s0, s29;
	s6 =	sadd.s32 s1, s29;
	s7 =	sadd.s32 $0x1A00, s14;
	vm0 =	vcmask $0x3F3C;
	v6 =	vand.u32 $0xF, v11;
	v9 =	vand.u32 $0xF, v9  }
0x14: {  	s8 =	sadd.s32 $0x2A00, s14;
	s9 =	sadd.s32 $0x3A00, s14;
	s14 =	sor.u32 s31, s30;
	v6 =	vnsel vm1, $0xF, v6;
	vm1 =	vmmov $0x1;
	v9 =	vcombine.low v10, v9  }
.LBB2_1:
0x15: {  	[tilespmem:s4], [sflag:$0x2] =	stream.linear.gather [hbm4b:s5+s4], $0x8000, $0x38;
	[tilespmem:$0x10D80] =	vst v63  }
0x16: {  	_ =	swait.ge [sflag:s15], $0x8000  }
0x17: {  	[sflag:s15] =	ssyncset.done $0x0  }
0x18: {  	[sflag:s15] =	ssyncadd.s32 $0xFFFF8000  }
0x19: {  	[tilespmem:s16], [sflag:$0x2] =	stream.linear.gather [hbm4b:s6+s4], $0x8000, $0x38;
	[tilespmem:$0x10D80] =	vst v63  }
0x1a: {  	_ =	swait.ge [sflag:s15], $0x8000  }
0x1b: {  	[sflag:s15] =	ssyncset.done $0x0  }
0x1c: {  	s29 =	simm.s32 $0x0;
	[sflag:s15] =	ssyncadd.s32 $0xFFFF8000  }
.LBB2_2:
0x1d: {  	p0 =	sne.s32 s29, $0xFC0  }
.Ltmp0:
0x1e: {  	_ = 	snop;
	(pc) =	sbr.rel @p0 .LBB2_2-.Ltmp0, $4  }
0x1f: {  	s30 =	sshra.s32 s29, $0x2  }
0x20: {  	[tilespmem:s30+$0x10000] =	vst v0  }
0x21: {  	[tilespmem:s30+$0x10400] =	vst v1  }
0x22: {  	s29 =	sadd.s32 $0x40, s29;
	[tilespmem:s30+$0x10800] =	vst v2  }
0x23: {  	s29 =	simm.s32 $0x0  }
0x24: {  	v11 =	vld [tilespmem:s29+$0x0]  }
0x25: {  	v10 =	vld [tilespmem:s29+$0x8000];
	_ =	sdelay $0x4  }
0x26: {  	v12 =	vperm.xlane v11, v5;
	v13 =	vperm.xlane v10, v5;
	_ =	sdelay $0x1  }
0x27: {  	v14 =	vmul.f32 $1.442695020e+00, v11;
	vm2 =	vgt.f32 v12, v11;
	vm3 =	vne.s32 v13, v10  }
0x28: {  	vm2 =	vmneg vm2;
	vm3 =	vmor vm3, vm0  }
0x29: {  	(erf) = vpow2.f32 v14;
	v13 =	vsel vm3, $0x1, v7;
	vm2 =	vmor vm2, vm3  }
0x2a: {  	v13 =	vperm.xlane v13, v5;
	v11 =	vsel vm2, v11, v12  }
0x2b: {  	v12 =	vperm.xlane v11, v8  }
0x2c: {  	v13 =	vsel vm3, $0x1, v13  }
0x2d: {  	v14 =	vor.u32 s14, v4;
	vm3 =	veq.s32 v13, $0x0;
	vm4 =	vgt.f32 v12, v11  }
0x2e: {  	v15 =	vperm.xlane v14, v5;
	vm4 =	vmand vm3, vm4  }
0x2f: {  	v16 =	vperm.xlane v13, v8;
	v11 =	vsel vm4, v12, v11  }
0x30: {  	v12 =	vsel vm2, v14, v15;
	v14 =	vperm.xlane v11, v3  }
0x31: {  	v13 =	vsel vm3, v16, v13;
	v15 =	vperm.xlane v12, v8  }
0x32: {  	v63 =	vpop (erf);
	vm2 =	veq.s32 v13, $0x0;
	vm3 =	vgt.f32 v14, v11  }
0x33: {  	[tilespmem:v10+s17+$0x0] =	vst.idx.add.f32.msk $0xffff, v63;
	v12 =	vsel vm4, v15, v12;
	vm2 =	vmand vm2, vm3  }
0x34: {  	v15 =	vperm.xlane v13, v3;
	v16 =	vld.idx.msk [tilespmem:v10+s19+$0x0], $0xffff;
	v17 =	vperm.xlane v12, v3;
	v11 =	vsel vm2, v14, v11  }
0x35: {  	v14 =	vld.idx.msk [tilespmem:v10+s18+$0x0], $0xffff;
	v18 =	vperm.xlane v11, v6  }
0x36: {  	v13 =	vor.u32 v15, v13;
	v12 =	vsel vm2, v17, v12  }
0x37: {  	vm2 =	veq.s32 v13, $0x0;
	v15 =	vperm.xlane v12, v6;
	vm3 =	vgt.f32 v18, v11  }
0x38: {  	vm2 =	vmand vm2, vm3  }
0x39: {  	v11 =	vsel vm2, v18, v11;
	v13 =	vsel vm2, v15, v12;
	v12 =	vperm.xlane v10, v9  }
0x3a: {  	vm2 =	veq.f32 v11, v14;
	vm3 =	vlt.s32 v13, v16  }
0x3b: {  	vm15 =	vgt.f32 v11, v14;
	vm2 =	vmand vm2, vm3;
	vm3 =	vne.s32 v12, v10  }
0x3c: {  	vm4 =	vmor vm15, vm2;
	vm2 =	vmor vm3, vm1;
	_ =	sdelay $0x3  }
0x3d: {  	s30 =	smov.u32 s14;
	s29 =	simm.s32 $0x40;
	v12 =	vsel vm4, v11, v14;
	v11 =	vsel vm4, v13, v16  }
.LBB2_4:
0x3e: {  	p0 =	sne.s32 s29, $0x1FFC0  }
0x3f: {  	[tilespmem:v10+s18+$0x0] =	vst.idx.msk vm2, v12;
	s30 =	sadd.s32 $0x10, s30;
	s31 =	smov.u32 s29;
	s29 =	sadd.s32 $0x40, s29  }
0x40: {  	s31 =	sshra.s32 s31, $0x2;
	[tilespmem:v10+s19+$0x0] =	vst.idx.msk vm2, v11  }
0x41: {  	v11 =	vld [tilespmem:s31+$0x0]  }
0x42: {  	v10 =	vld [tilespmem:s31+$0x8000];
	_ =	sdelay $0x3  }
0x43: {  	v12 =	vmul.f32 $1.442695020e+00, v11;
	v13 =	vperm.xlane v11, v5  }
0x44: {  	v14 =	vperm.xlane v10, v5;
	v15 =	vperm.xlane v10, v9  }
0x45: {  	vm2 =	vgt.f32 v13, v11;
	(erf) = vpow2.f32 v12  }
0x46: {  	vm3 =	vne.s32 v14, v10;
	vm4 =	vmneg vm2;
	vm2 =	vne.s32 v15, v10  }
0x47: {  	vm3 =	vmor vm3, vm0  }
0x48: {  	v12 =	vsel vm3, $0x1, v7;
	vm4 =	vmor vm4, vm3  }
0x49: {  	v12 =	vperm.xlane v12, v5;
	v11 =	vsel vm4, v11, v13  }
0x4a: {  	v13 =	vperm.xlane v11, v8  }
0x4b: {  	v14 =	vor.u32 s30, v4;
	v12 =	vsel vm3, $0x1, v12  }
0x4c: {  	v15 =	vperm.xlane v12, v8;
	vm3 =	veq.s32 v12, $0x0;
	vm5 =	vgt.f32 v13, v11  }
0x4d: {  	v16 =	vperm.xlane v14, v5;
	vm5 =	vmand vm3, vm5  }
0x4e: {  	v11 =	vsel vm5, v13, v11;
	v12 =	vsel vm3, v15, v12;
	v13 =	vpop (erf)  }
0x4f: {  	[tilespmem:v10+s17+$0x0] =	vst.idx.add.f32.msk $0xffff, v13;
	v13 =	vsel vm4, v14, v16;
	v14 =	vperm.xlane v11, v3  }
0x50: {  	v16 =	vperm.xlane v12, v3;
	v15 =	vperm.xlane v13, v8  }
0x51: {  	vm3 =	veq.s32 v12, $0x0;
	vm4 =	vgt.f32 v14, v11  }
0x52: {  	v12 =	vor.u32 v16, v12;
	v13 =	vsel vm5, v15, v13;
	vm3 =	vmand vm3, vm4;
	v15 =	vld.idx.msk [tilespmem:v10+s19+$0x0], $0xffff  }
0x53: {  	v16 =	vperm.xlane v13, v3;
	v11 =	vsel vm3, v14, v11;
	v14 =	vld.idx.msk [tilespmem:v10+s18+$0x0], $0xffff  }
0x54: {  	v17 =	vperm.xlane v11, v6  }
0x55: {  	v13 =	vsel vm3, v16, v13  }
0x56: {  	vm3 =	veq.s32 v12, $0x0;
	v16 =	vperm.xlane v13, v6;
	vm4 =	vgt.f32 v17, v11  }
0x57: {  	vm2 =	vmor vm2, vm1;
	vm3 =	vmand vm3, vm4  }
.Ltmp1:
0x58: {  	v11 =	vsel vm3, v17, v11;
	v13 =	vsel vm3, v16, v13;
	(pc) =	sbr.rel @p0 .LBB2_4-.Ltmp1, $4  }
0x59: {  	vm3 =	veq.f32 v11, v14;
	vm4 =	vlt.s32 v13, v15  }
0x5a: {  	vm5 =	vgt.f32 v11, v14;
	vm3 =	vmand vm3, vm4  }
0x5b: {  	vm3 =	vmor vm5, vm3  }
0x5c: {  	v12 =	vsel vm3, v11, v14;
	v11 =	vsel vm3, v13, v15  }
0x5d: {  	_ =	sdelay $0x4  }
0x5e: {  	[tilespmem:v10+s18+$0x0] =	vst.idx.msk vm2, v12  }
0x5f: {  	[tilespmem:v10+s19+$0x0] =	vst.idx.msk vm2, v11  }
0x60: {  	[hbm4b:s7+s20] =	stream.strided.scatter [tilespmem:s18], [sflag:$0x2], $0x400, s21, s20, $0x38;
	[tilespmem:$0x10D80] =	vst v63  }
0x61: {  	_ =	swait.ge [sflag:s15], $0x400  }
0x62: {  	[sflag:s15] =	ssyncset.done $0x0  }
0x63: {  	[sflag:s15] =	ssyncadd.s32 $0xFFFFFC00  }
0x64: {  	[hbm4b:s8+s20] =	stream.strided.scatter [tilespmem:s17], [sflag:$0x2], $0x400, s21, s20, $0x38;
	[tilespmem:$0x10D80] =	vst v63  }
0x65: {  	_ =	swait.ge [sflag:s15], $0x400  }
0x66: {  	[sflag:s15] =	ssyncset.done $0x0  }
0x67: {  	[sflag:s15] =	ssyncadd.s32 $0xFFFFFC00  }
0x68: {  	[hbm4b:s9+s20] =	stream.strided.scatter [tilespmem:s19], [sflag:$0x2], $0x400, s21, s20, $0x38;
	[tilespmem:$0x10D80] =	vst v63  }
0x69: {  	_ =	swait.ge [sflag:s15], $0x400  }
0x6a: {  	[sflag:s15] =	ssyncset.done $0x0  }
0x6b: {  	[sflag:s15] =	ssyncadd.s32 $0xFFFFFC00  }
0x6c: {  	[tilespmem:s22], [sflag:$0x2] =	stream.linear.gather [hbm4b:s10+s4], $0x20, $0x38;
	[tilespmem:$0x10D80] =	vst v63  }
0x6d: {  	_ =	swait.ge [sflag:s15], $0x20  }
0x6e: {  	[sflag:s15] =	ssyncset.done $0x0  }
0x6f: {  	[sflag:s15] =	ssyncadd.s32 $0xFFFFFFE0  }
0x70: {  	[tilespmem:s24], [sflag:$0x1] =	stream.indirect.gather [hbm4b:s0+s23], $0x1, s22, s23, $0xb8;
	[tilespmem:$0x10D80] =	vst v63  }
0x71: {  	_ =	swait.ge [sflag:s25], $0x20  }
0x72: {  	[sflag:s25] =	ssyncset.done $0x0  }
0x73: {  	[sflag:s25] =	ssyncadd.s32 $0xFFFFFFE0  }
0x74: {  	[tilespmem:s26], [sflag:$0x1] =	stream.indirect.gather [hbm4b:s1+s23], $0x1, s22, s23, $0xb8;
	[tilespmem:$0x10D80] =	vst v63  }
0x75: {  	_ =	swait.ge [sflag:s25], $0x20  }
0x76: {  	[sflag:s25] =	ssyncset.done $0x0  }
0x77: {  	[sflag:s25] =	ssyncadd.s32 $0xFFFFFFE0  }
0x78: {  	[hbm4b:s11+s4] =	stream.linear.scatter [tilespmem:s24], [sflag:$0x2], $0x20, $0x38;
	[tilespmem:$0x10D80] =	vst v63  }
0x79: {  	s28 =	sadd.s32 $0x1, s28;
	_ =	swait.ge [sflag:s15], $0x20  }
0x7a: {  	p0 =	sne.s32 s28, s13;
	[sflag:s15] =	ssyncset.done $0x0  }
.Ltmp2:
0x7b: {  	[sflag:s15] =	ssyncadd.s32 $0xFFFFFFE0;
	(pc) =	sbr.rel @p0 .LBB2_1-.Ltmp2, $4  }
0x7c: {  	[hbm4b:s12+s4] =	stream.linear.scatter [tilespmem:s26], [sflag:$0x2], $0x20, $0x38;
	[tilespmem:$0x10D80] =	vst v63  }
0x7d: {  	_ =	swait.ge [sflag:s15], $0x20  }
0x7e: {  	[sflag:s15] =	ssyncset.done $0x0  }
0x7f: {  	[sflag:s15] =	ssyncadd.s32 $0xFFFFFFE0  }
0x80: {  	_ =	sfence.sel $0x180000  }
0x81: {  	[bflag:$0x0] =	sbarrier.arrive $0xFFFF  }
0x82: {  	p0 =	sne.s32 s2, $0x0;
	_ =	strace $0x90000047  }
0x83: {  	s0 =	sadd.s32 @!p0 $0x100000, s3;
	[bflag:$0x2] =	sbarrier.arrive $0xFFFF  }
0x84: {  	[sflag:s0] =	ssyncadd.tile.s32 @!p0 $0x1;
	_ =	shalt  }
.Lfunc_end2:
_tile_overlayer_lowered:
.L_overlay_start_2:
0x85: {  	(tag) =	ssettag $0x2  }
0x86: {  	s0 =	rddreg [dreg:$0x0];
	s2 =	stileid.u32  }
0x87: {  	s1 =	rddreg [dreg:$0x1];
	p0 =	sne.s32 s2, $0x0  }
0x88: {  	s3 =	rddreg [dreg:$0x2];
	[bflag:$0x3] =	sbarrier.arrive $0xFFFF;
	s2 =	simm.s32 @!p0 $0x1C02  }
0x89: {  	[timem:s3], [sflag:s2] =	dma.local @!p0 [hbm:s0], s1  }
0x8a: {  	s0 =	simm.s32 @!p0 $0x2  }
0x8b: {  	_ =	swait.ge @!p0 [sflag:s0], s1  }
0x8c: {  	s1 =	ssub.s32 @!p0 $0x0, s1;
	[sflag:s0] =	ssyncset.done @!p0 $0x0  }
0x8d: {  	[sflag:s0] =	ssyncadd.s32 @!p0 s1  }
0x8e: {  	[bflag:$0x3] =	sbarrier.arrive $0xFFFF  }
0x8f: {  	_ =	shalt  }

</sc_bundles>
